<compile_context>
chip_gen: v7x
topology: tpu7x:2x2x1
jax: 0.10.2.dev20260603
libtpu: 0.0.44.dev20260713+nightly
codegen_flags: <defaults>
</compile_context>

<pallas_src>
import jax
import jax.numpy as jnp
from jax import lax
from jax.experimental import pallas as pl
from jax.experimental.pallas import tpu as pltpu
from jax.experimental.pallas import tpu_sc as plsc

NK = 1024
D = 64
DP = 128
CW = 16
B = 16
PIX = 1024
N = B * PIX
NW = 32
RPW = N // NW
GSZ = 128
G = RPW // GSZ
RPT = NK // 16

DECAY = 0.99
EPS = 1e-5
CC = 0.25
RATIO = DECAY / (1.0 - DECAY)



BPS = 2


def _argmin_body(x_ref, w_ref, ecs_ref, idx_ref, xt_ref, n_ref, x2acc_ref):
    i = pl.program_id(0)
    Wm = w_ref[...]
    w2 = jnp.sum(Wm * Wm, axis=1, keepdims=True)
    ey = (lax.broadcasted_iota(jnp.int32, (D, DP), 0)
          == lax.broadcasted_iota(jnp.int32, (D, DP), 1)).astype(jnp.float32)
    colid = lax.broadcasted_iota(jnp.int32, (PIX, DP), 1)
    onecols = ((colid >= D) & (colid < D + CW)).astype(jnp.float32)
    rows = lax.broadcasted_iota(jnp.int32, (NK, PIX), 0)
    x2s = 0.0
    W2 = Wm + Wm
    for bb in range(BPS):
        X = x_ref[bb]
        S2 = lax.dot_general(W2, X, (((1,), (0,)), ((), ())),
                             preferred_element_type=jnp.float32)
        x2 = jnp.sum(X * X, axis=0, keepdims=True)
        dist = (x2 + w2) - S2
        dmin = jnp.min(dist, axis=0, keepdims=True)
        idx = jnp.min(jnp.where(dist == dmin, rows, NK), axis=0)
        idx_ref[bb, 0, :] = idx
        xt_ref[bb] = (lax.dot_general(X, ey, (((0,), (0,)), ((), ())),
                                      preferred_element_type=jnp.float32)
                      + onecols)
        x2s = x2s + jnp.sum(x2)

    @pl.when(i == 0)
    def _():
        n = DECAY * jnp.sum(ecs_ref[...]) + (1.0 - DECAY) * N
        n_ref[0:1] = jnp.full((1, DP), n, jnp.float32)
        x2acc_ref[0, 0] = 0.0

    x2acc_ref[0, 0] += x2s

    @pl.when(i == B // BPS - 1)
    def _():
        n_ref[1:2] = jnp.full((1, DP), x2acc_ref[0, 0], jnp.float32)


def _stage_a(x3, W, ecs8):
    return pl.pallas_call(
        _argmin_body,
        grid=(B // BPS,),
        in_specs=[pl.BlockSpec((BPS, D, PIX), lambda i: (i, 0, 0)),
                  pl.BlockSpec((NK, D), lambda i: (0, 0)),
                  pl.BlockSpec((8, DP), lambda i: (0, 0))],
        out_specs=[pl.BlockSpec((BPS, 1, PIX), lambda i: (i, 0, 0)),
                   pl.BlockSpec((BPS, PIX, DP), lambda i: (i, 0, 0)),
                   pl.BlockSpec((2, DP), lambda i: (0, 0))],
        out_shape=[jax.ShapeDtypeStruct((B, 1, PIX), jnp.int32),
                   jax.ShapeDtypeStruct((B, PIX, DP), jnp.float32),
                   jax.ShapeDtypeStruct((2, DP), jnp.float32)],
        scratch_shapes=[pltpu.SMEM((1, 1), jnp.float32)],
    )(x3, W, ecs8)



def _scatter_body(x_hbm, idx_hbm, zdw_hbm, emaw_hbm, ecsb_hbm, dwp_hbm,
                  idx_v, rows_v, init_v, ecsb_v, dw_sh, sem, rsem):
    c = lax.axis_index("c")
    s = lax.axis_index("s")
    w = s * 2 + c
    base = s * RPT
    rcps = [pltpu.async_copy(
        x_hbm.at[w // 2, pl.ds((w % 2) * RPW + g * GSZ, GSZ)],
        rows_v.at[pl.ds(g * GSZ, GSZ)], rsem) for g in range(G)]
    pltpu.sync_copy(idx_hbm.at[w], idx_v)

    @pl.when(c == 0)
    def _():
        pltpu.sync_copy(emaw_hbm.at[pl.ds(base, RPT)], init_v)
        pltpu.sync_copy(ecsb_hbm.at[pl.ds(base, RPT)], ecsb_v)

        def _init_row(r, carry):
            for k in range(D // 16):
                sl = pl.ds(k * 16, 16)
                init_v[r, sl] = init_v[r, sl] * RATIO
            init_v[r, pl.ds(D, CW)] = ecsb_v[r, pl.ds(0, CW)] * RATIO
            return carry

        lax.fori_loop(0, RPT, _init_row, 0)
        pltpu.sync_copy(init_v, dw_sh.at[pl.ds(base, RPT)])

    @pl.when(c != 0)
    def _():
        pltpu.sync_copy(zdw_hbm.at[pl.ds(base, RPT)],
                        dw_sh.at[pl.ds(base, RPT)])

    plsc.subcore_barrier()
    cps = []
    for g in range(G):
        rcps[g].wait()
        cps.append(pltpu.async_copy(rows_v.at[pl.ds(g * GSZ, GSZ)],
                                    dw_sh.at[idx_v.at[g]], sem, add=True))
    for cp in cps:
        cp.wait()
    plsc.subcore_barrier()
    pltpu.sync_copy(dw_sh.at[pl.ds(base, RPT)],
                    dwp_hbm.at[c, pl.ds(base, RPT)])


def _stage_b(xt, idx_g, zdw, emaw_p, ecs_bc):
    mesh = plsc.VectorSubcoreMesh(core_axis_name="c", subcore_axis_name="s")
    f = pl.kernel(
        _scatter_body,
        out_type=jax.ShapeDtypeStruct((2, NK, DP), jnp.float32),
        mesh=mesh,
        scratch_types=[pltpu.VMEM((G, GSZ), jnp.int32),
                       pltpu.VMEM((RPW, DP), jnp.float32),
                       pltpu.VMEM((RPT, DP), jnp.float32),
                       pltpu.VMEM((RPT, CW), jnp.float32),
                       pltpu.VMEM_SHARED((NK, DP), jnp.float32),
                       pltpu.SemaphoreType.DMA,
                       pltpu.SemaphoreType.DMA],
    )
    return f(xt, idx_g, zdw, emaw_p, ecs_bc)



def _ema_gather_body(dwp_hbm, n_hbm, idx_hbm, emaw_hbm, q_hbm, parts_hbm,
                     idx_v, rows_v, dw0_v, dw1_v, emaw_v, n_row, wnew_v,
                     parts_v, wnew_sh, sem, wsem):
    c = lax.axis_index("c")
    s = lax.axis_index("s")
    w = s * 2 + c
    base = s * RPT
    pltpu.sync_copy(idx_hbm.at[w], idx_v)
    pltpu.sync_copy(dwp_hbm.at[0, pl.ds(base, RPT)], dw0_v)
    pltpu.sync_copy(dwp_hbm.at[1, pl.ds(base, RPT)], dw1_v)
    pltpu.sync_copy(emaw_hbm.at[pl.ds(base, RPT)], emaw_v)
    pltpu.sync_copy(n_hbm.at[pl.ds(0, 1)], n_row)
    nv = n_row[0, pl.ds(0, 16)]
    den = nv + NK * EPS
    OM = 1.0 - DECAY

    def _row_step(r, carry):
        vqx, vq2 = carry
        cnt = dw0_v[r, pl.ds(D, 16)] + dw1_v[r, pl.ds(D, 16)]
        ncs = OM * cnt
        cs = (ncs + EPS) / den * nv
        iv = OM / cs
        w2r = jnp.zeros((16,), jnp.float32)
        for k in range(D // 16):
            sl = pl.ds(k * 16, 16)
            acc = dw0_v[r, sl] + dw1_v[r, sl]
            wn = acc * iv
            wnew_v[r, sl] = wn
            vqx = vqx + wn * (acc - RATIO * emaw_v[r, sl])
            w2r = w2r + wn * wn
        vq2 = vq2 + cnt * w2r
        return (vqx, vq2)

    vqx, vq2 = lax.fori_loop(0, RPT, _row_step,
                             (jnp.zeros((16,), jnp.float32),
                              jnp.zeros((16,), jnp.float32)))
    parts_v[0, pl.ds(0, 16)] = vqx
    parts_v[1, pl.ds(0, 16)] = vq2
    pltpu.sync_copy(parts_v, parts_hbm.at[w])
    pltpu.sync_copy(wnew_v, wnew_sh.at[pl.ds(base, RPT)])
    plsc.subcore_barrier()

    cps = [pltpu.async_copy(wnew_sh.at[idx_v.at[g]],
                            rows_v.at[pl.ds(g * GSZ, GSZ)], sem)
           for g in range(G)]
    wcps = []
    for g in range(G):
        cps[g].wait()
        wcps.append(pltpu.async_copy(
            rows_v.at[pl.ds(g * GSZ, GSZ)],
            q_hbm.at[w // 2, pl.ds((w % 2) * RPW + g * GSZ, GSZ)], wsem))
    for cp in wcps:
        cp.wait()


def _stage_c(dwp, nsum, idx_g, emaw_p):
    mesh = plsc.VectorSubcoreMesh(core_axis_name="c", subcore_axis_name="s")
    f = pl.kernel(
        _ema_gather_body,
        out_type=[jax.ShapeDtypeStruct((B, PIX, DP), jnp.float32),
                  jax.ShapeDtypeStruct((NW, 2, 16), jnp.float32)],
        mesh=mesh,
        scratch_types=[pltpu.VMEM((G, GSZ), jnp.int32),
                       pltpu.VMEM((RPW, DP), jnp.float32),
                       pltpu.VMEM((RPT, DP), jnp.float32),
                       pltpu.VMEM((RPT, DP), jnp.float32),
                       pltpu.VMEM((RPT, DP), jnp.float32),
                       pltpu.VMEM((1, DP), jnp.float32),
                       pltpu.VMEM((RPT, DP), jnp.float32),
                       pltpu.VMEM((2, 16), jnp.float32),
                       pltpu.VMEM_SHARED((NK, DP), jnp.float32),
                       pltpu.SemaphoreType.DMA,
                       pltpu.SemaphoreType.DMA],
    )
    return f(dwp, nsum, idx_g, emaw_p)



def _finish_body(n_ref, parts_ref, loss_ref):
    x2tot = n_ref[1, 0]
    qx = 0.5 * jnp.sum(parts_ref[:, 0, :])
    q2 = 0.5 * jnp.sum(parts_ref[:, 1, :])
    loss_ref[0, 0] = (q2 - 2.0 * qx + x2tot) * (CC / (N * D))


def _stage_f(nsum, parts):
    return pl.pallas_call(
        _finish_body,
        in_specs=[pl.BlockSpec(memory_space=pltpu.SMEM),
                  pl.BlockSpec((NW, 2, 16), lambda: (0, 0, 0))],
        out_specs=pl.BlockSpec(memory_space=pltpu.SMEM),
        out_shape=jax.ShapeDtypeStruct((1, 1), jnp.float32),
    )(nsum, parts)



def kernel(inputs, W, ema_cluster_size, ema_w):
    x3 = inputs.reshape(B, D, PIX)
    idx3, xt, nsum = _stage_a(x3, W, ema_cluster_size.reshape(8, DP))
    idx_g = idx3.reshape(NW, G, GSZ)
    zdw = jnp.zeros((NK, DP), jnp.float32)
    emaw_p = jnp.pad(ema_w, ((0, 0), (0, DP - D)))
    ecs_bc = jnp.broadcast_to(ema_cluster_size[:, None], (NK, CW))
    dwp = _stage_b(xt, idx_g, zdw, emaw_p, ecs_bc)
    q3, parts = _stage_c(dwp, nsum, idx_g, emaw_p)
    loss2 = _stage_f(nsum, parts)
    qout = q3[:, :, :D].transpose(0, 2, 1).reshape(B, D, 32, 32)
    return (qout, loss2.reshape(()), idx3.reshape(B, 32, 32))

# --- scband reference (transcript-rebuilt; emitter-appended) ---
"""Pipeline reference for scband-vector-quantizer-ema-73126113181953 (READ-ONLY COPY).

The authoritative reference and input builder live on the scoring server;
editing this copy changes nothing except your own understanding.
"""

import jax, jax.numpy as jnp
import numpy as np

NUM_EMBEDDINGS = 1024
EMBEDDING_DIM = 64
COMMITMENT_COST = 0.25
DECAY = 0.99
EPSILON = 1e-05


def setup_inputs(seed: int = 0) -> dict:
    key = jax.random.key(seed)
    k1, k2 = jax.random.split(key)
    inputs = jax.random.normal(k1, (16, 64, 32, 32), dtype=jnp.float32)
    W = jax.random.uniform(k2, (NUM_EMBEDDINGS, EMBEDDING_DIM), dtype=jnp.float32,
                           minval=-1.0 / NUM_EMBEDDINGS, maxval=1.0 / NUM_EMBEDDINGS)
    ema_cluster_size = jnp.zeros((NUM_EMBEDDINGS,), dtype=jnp.float32)
    ema_w = jnp.array(W)
    return {"inputs": inputs, "W": W, "ema_cluster_size": ema_cluster_size, "ema_w": ema_w}


def reference(inputs, W, ema_cluster_size, ema_w):
    # BCHW -> BHWC
    x = jnp.transpose(inputs, (0, 2, 3, 1))
    input_shape = x.shape
    flat_input = x.reshape(-1, EMBEDDING_DIM)

    # distances: ||z||^2 + ||e||^2 - 2 z e^T
    distances = (jnp.sum(flat_input ** 2, axis=1, keepdims=True)
                 + jnp.sum(W ** 2, axis=1)
                 - 2.0 * jnp.matmul(flat_input, W.T))

    encoding_indices = jnp.argmin(distances, axis=1)
    encodings = jax.nn.one_hot(encoding_indices, NUM_EMBEDDINGS, dtype=flat_input.dtype)

    # EMA update (module default is training mode, ema_update_ready=1)
    new_cluster_size = ema_cluster_size * DECAY + (1.0 - DECAY) * jnp.sum(encodings, axis=0)
    n = jnp.sum(new_cluster_size)
    cluster_size = (new_cluster_size + EPSILON) / (n + NUM_EMBEDDINGS * EPSILON) * n
    dw = jnp.matmul(encodings.T, flat_input)
    new_ema_w = ema_w * DECAY + (1.0 - DECAY) * dw
    # torch updates embedding.weight via .data (no grad path)
    W_new = jax.lax.stop_gradient(new_ema_w / cluster_size[:, None])

    quantized = jnp.matmul(encodings, W_new).reshape(input_shape)

    e_latent_loss = jnp.mean((jax.lax.stop_gradient(quantized) - x) ** 2)
    loss = COMMITMENT_COST * e_latent_loss

    # straight-through estimator, then BHWC -> BCHW
    quantized_st = x + jax.lax.stop_gradient(quantized - x)
    quantized_out = jnp.transpose(quantized_st, (0, 3, 1, 2))

    return quantized_out, loss, encoding_indices.reshape(input_shape[:-1])

if __name__ == "__main__":
    import jax
    _d = setup_inputs()
    print(jax.jit(kernel)(*tuple(_d.values())))

</pallas_src>

<mosaic_0001>
#map = affine_map<(d0, d1) -> (0, 0, 0)>
#map1 = affine_map<(d0, d1) -> (0, 0)>
module attributes {stable_mosaic.version = 14 : i64} {
  func.func @_ema_gather_body(%arg0: i32, %arg1: i32, %arg2: memref<2x1024x128xf32, #tpu.memory_space<hbm>>, %arg3: memref<2x128xf32, #tpu.memory_space<hbm>>, %arg4: memref<32x4x128xi32, #tpu.memory_space<hbm>>, %arg5: memref<1024x128xf32, #tpu.memory_space<hbm>>, %arg6: memref<16x1024x128xf32, #tpu.memory_space<hbm>>, %arg7: memref<32x2x16xf32, #tpu.memory_space<hbm>>, %arg8: memref<4x128xi32, #tpu.memory_space<vmem>>, %arg9: memref<512x128xf32, #tpu.memory_space<vmem>>, %arg10: memref<64x128xf32, #tpu.memory_space<vmem>>, %arg11: memref<64x128xf32, #tpu.memory_space<vmem>>, %arg12: memref<64x128xf32, #tpu.memory_space<vmem>>, %arg13: memref<1x128xf32, #tpu.memory_space<vmem>>, %arg14: memref<64x128xf32, #tpu.memory_space<vmem>>, %arg15: memref<2x16xf32, #tpu.memory_space<vmem>>, %arg16: memref<1024x128xf32, #tpu.memory_space<vmem_shared>>, %arg17: memref<!tpu.dma_semaphore, #tpu.memory_space<semaphore_mem>>, %arg18: memref<!tpu.dma_semaphore, #tpu.memory_space<semaphore_mem>>) attributes {dimension_semantics = [#tpu.dimension_semantics<core_parallel>, #tpu.dimension_semantics<subcore_parallel>], iteration_bounds = array<i64: 2, 16>, scalar_prefetch = 0 : i64, scratch_operands = 11 : i64, tpu.core_type = #tpu.core_type<sc_vector_subcore>, window_params = [{transform_indices = #map}, {transform_indices = #map1}, {transform_indices = #map}, {transform_indices = #map1}, {transform_indices = #map}, {transform_indices = #map}]} {
    %mul3A = arith.constant 2 : i32
    %mul3A_0 = arith.muli %arg1, %mul3A : i32
    %add3A = arith.addi %mul3A_0, %arg0 : i32
    %mul3A_1 = arith.constant 64 : i32
    %mul3A_2 = arith.muli %arg1, %mul3A_1 : i32
    "tpu.region"() ({
      %run_scoped3A_370 = tpu.sem_alloc : memref<!tpu.dma_semaphore, #tpu.memory_space<semaphore_mem>>
      %dma_start3A_371 = arith.constant 0 : i32
      %dma_start3A_372 = arith.constant 0 : i32
      %dma_start3A_373 = tpu.memref_slice %arg4[%add3A, %dma_start3A_371, %dma_start3A_372] : memref<32x4x128xi32, #tpu.memory_space<hbm>> -> memref<1x4x128xi32, #tpu.memory_space<hbm>>
      %dma_start3A_374 = tpu.memref_squeeze %dma_start3A_373 : memref<1x4x128xi32, #tpu.memory_space<hbm>> -> memref<4x128xi32, #tpu.memory_space<hbm>>
      %dma_start3A_375 = arith.constant 0 : i32
      %dma_start3A_376 = arith.constant 0 : i32
      %dma_start3A_377 = tpu.memref_slice %arg4[%add3A, %dma_start3A_375, %dma_start3A_376] : memref<32x4x128xi32, #tpu.memory_space<hbm>> -> memref<1x4x128xi32, #tpu.memory_space<hbm>>
      %dma_start3A_378 = tpu.memref_squeeze %dma_start3A_377 : memref<1x4x128xi32, #tpu.memory_space<hbm>> -> memref<4x128xi32, #tpu.memory_space<hbm>>
      tpu.enqueue_dma source(%dma_start3A_378 : memref<4x128xi32, #tpu.memory_space<hbm>>) target(%arg8 : memref<4x128xi32, #tpu.memory_space<vmem>>) target_semaphore(%run_scoped3A_370 : memref<!tpu.dma_semaphore, #tpu.memory_space<semaphore_mem>>)
      %dma_wait3A_379 = arith.constant 0 : i32
      %dma_wait3A_380 = arith.constant 0 : i32
      %dma_wait3A_381 = tpu.memref_slice %arg4[%add3A, %dma_wait3A_379, %dma_wait3A_380] : memref<32x4x128xi32, #tpu.memory_space<hbm>> -> memref<1x4x128xi32, #tpu.memory_space<hbm>>
      %dma_wait3A_382 = tpu.memref_squeeze %dma_wait3A_381 : memref<1x4x128xi32, #tpu.memory_space<hbm>> -> memref<4x128xi32, #tpu.memory_space<hbm>>
      %dma_wait3A_383 = arith.constant 0 : i32
      %dma_wait3A_384 = arith.constant 0 : i32
      %dma_wait3A_385 = tpu.memref_slice %arg4[%add3A, %dma_wait3A_383, %dma_wait3A_384] : memref<32x4x128xi32, #tpu.memory_space<hbm>> -> memref<1x4x128xi32, #tpu.memory_space<hbm>>
      %dma_wait3A_386 = tpu.memref_squeeze %dma_wait3A_385 : memref<1x4x128xi32, #tpu.memory_space<hbm>> -> memref<4x128xi32, #tpu.memory_space<hbm>>
      tpu.wait_dma2 semaphore(%run_scoped3A_370 : memref<!tpu.dma_semaphore, #tpu.memory_space<semaphore_mem>>) src(%dma_wait3A_386 : memref<4x128xi32, #tpu.memory_space<hbm>>) dst(%arg8 : memref<4x128xi32, #tpu.memory_space<vmem>>)
      tpu.yield
    }) : () -> ()
    %run_scoped3A = arith.constant 0 : i32
    "tpu.region"() ({
      %run_scoped3A_370 = tpu.sem_alloc : memref<!tpu.dma_semaphore, #tpu.memory_space<semaphore_mem>>
      %dma_start3A_371 = arith.constant 0 : i32
      %dma_start3A_372 = tpu.memref_slice %arg2[%run_scoped3A, %mul3A_2, %dma_start3A_371] : memref<2x1024x128xf32, #tpu.memory_space<hbm>> -> memref<1x64x128xf32, #tpu.memory_space<hbm>>
      %dma_start3A_373 = tpu.memref_squeeze %dma_start3A_372 : memref<1x64x128xf32, #tpu.memory_space<hbm>> -> memref<64x128xf32, #tpu.memory_space<hbm>>
      %dma_start3A_374 = arith.constant 0 : i32
      %dma_start3A_375 = tpu.memref_slice %arg2[%run_scoped3A, %mul3A_2, %dma_start3A_374] : memref<2x1024x128xf32, #tpu.memory_space<hbm>> -> memref<1x64x128xf32, #tpu.memory_space<hbm>>
      %dma_start3A_376 = tpu.memref_squeeze %dma_start3A_375 : memref<1x64x128xf32, #tpu.memory_space<hbm>> -> memref<64x128xf32, #tpu.memory_space<hbm>>
      tpu.enqueue_dma source(%dma_start3A_376 : memref<64x128xf32, #tpu.memory_space<hbm>>) target(%arg10 : memref<64x128xf32, #tpu.memory_space<vmem>>) target_semaphore(%run_scoped3A_370 : memref<!tpu.dma_semaphore, #tpu.memory_space<semaphore_mem>>)
      %dma_wait3A_377 = arith.constant 0 : i32
      %dma_wait3A_378 = tpu.memref_slice %arg2[%run_scoped3A, %mul3A_2, %dma_wait3A_377] : memref<2x1024x128xf32, #tpu.memory_space<hbm>> -> memref<1x64x128xf32, #tpu.memory_space<hbm>>
      %dma_wait3A_379 = tpu.memref_squeeze %dma_wait3A_378 : memref<1x64x128xf32, #tpu.memory_space<hbm>> -> memref<64x128xf32, #tpu.memory_space<hbm>>
      %dma_wait3A_380 = arith.constant 0 : i32
      %dma_wait3A_381 = tpu.memref_slice %arg2[%run_scoped3A, %mul3A_2, %dma_wait3A_380] : memref<2x1024x128xf32, #tpu.memory_space<hbm>> -> memref<1x64x128xf32, #tpu.memory_space<hbm>>
      %dma_wait3A_382 = tpu.memref_squeeze %dma_wait3A_381 : memref<1x64x128xf32, #tpu.memory_space<hbm>> -> memref<64x128xf32, #tpu.memory_space<hbm>>
      tpu.wait_dma2 semaphore(%run_scoped3A_370 : memref<!tpu.dma_semaphore, #tpu.memory_space<semaphore_mem>>) src(%dma_wait3A_382 : memref<64x128xf32, #tpu.memory_space<hbm>>) dst(%arg10 : memref<64x128xf32, #tpu.memory_space<vmem>>)
      tpu.yield
    }) : () -> ()
    %run_scoped3A_3 = arith.constant 1 : i32
    "tpu.region"() ({
      %run_scoped3A_370 = tpu.sem_alloc : memref<!tpu.dma_semaphore, #tpu.memory_space<semaphore_mem>>
      %dma_start3A_371 = arith.constant 0 : i32
      %dma_start3A_372 = tpu.memref_slice %arg2[%run_scoped3A_3, %mul3A_2, %dma_start3A_371] : memref<2x1024x128xf32, #tpu.memory_space<hbm>> -> memref<1x64x128xf32, #tpu.memory_space<hbm>>
      %dma_start3A_373 = tpu.memref_squeeze %dma_start3A_372 : memref<1x64x128xf32, #tpu.memory_space<hbm>> -> memref<64x128xf32, #tpu.memory_space<hbm>>
      %dma_start3A_374 = arith.constant 0 : i32
      %dma_start3A_375 = tpu.memref_slice %arg2[%run_scoped3A_3, %mul3A_2, %dma_start3A_374] : memref<2x1024x128xf32, #tpu.memory_space<hbm>> -> memref<1x64x128xf32, #tpu.memory_space<hbm>>
      %dma_start3A_376 = tpu.memref_squeeze %dma_start3A_375 : memref<1x64x128xf32, #tpu.memory_space<hbm>> -> memref<64x128xf32, #tpu.memory_space<hbm>>
      tpu.enqueue_dma source(%dma_start3A_376 : memref<64x128xf32, #tpu.memory_space<hbm>>) target(%arg11 : memref<64x128xf32, #tpu.memory_space<vmem>>) target_semaphore(%run_scoped3A_370 : memref<!tpu.dma_semaphore, #tpu.memory_space<semaphore_mem>>)
      %dma_wait3A_377 = arith.constant 0 : i32
      %dma_wait3A_378 = tpu.memref_slice %arg2[%run_scoped3A_3, %mul3A_2, %dma_wait3A_377] : memref<2x1024x128xf32, #tpu.memory_space<hbm>> -> memref<1x64x128xf32, #tpu.memory_space<hbm>>
      %dma_wait3A_379 = tpu.memref_squeeze %dma_wait3A_378 : memref<1x64x128xf32, #tpu.memory_space<hbm>> -> memref<64x128xf32, #tpu.memory_space<hbm>>
      %dma_wait3A_380 = arith.constant 0 : i32
      %dma_wait3A_381 = tpu.memref_slice %arg2[%run_scoped3A_3, %mul3A_2, %dma_wait3A_380] : memref<2x1024x128xf32, #tpu.memory_space<hbm>> -> memref<1x64x128xf32, #tpu.memory_space<hbm>>
      %dma_wait3A_382 = tpu.memref_squeeze %dma_wait3A_381 : memref<1x64x128xf32, #tpu.memory_space<hbm>> -> memref<64x128xf32, #tpu.memory_space<hbm>>
      tpu.wait_dma2 semaphore(%run_scoped3A_370 : memref<!tpu.dma_semaphore, #tpu.memory_space<semaphore_mem>>) src(%dma_wait3A_382 : memref<64x128xf32, #tpu.memory_space<hbm>>) dst(%arg11 : memref<64x128xf32, #tpu.memory_space<vmem>>)
      tpu.yield
    }) : () -> ()
    "tpu.region"() ({
      %run_scoped3A_370 = tpu.sem_alloc : memref<!tpu.dma_semaphore, #tpu.memory_space<semaphore_mem>>
      %dma_start3A_371 = arith.constant 0 : i32
      %dma_start3A_372 = tpu.memref_slice %arg5[%mul3A_2, %dma_start3A_371] : memref<1024x128xf32, #tpu.memory_space<hbm>> -> memref<64x128xf32, #tpu.memory_space<hbm>>
      %dma_start3A_373 = arith.constant 0 : i32
      %dma_start3A_374 = tpu.memref_slice %arg5[%mul3A_2, %dma_start3A_373] : memref<1024x128xf32, #tpu.memory_space<hbm>> -> memref<64x128xf32, #tpu.memory_space<hbm>>
      tpu.enqueue_dma source(%dma_start3A_374 : memref<64x128xf32, #tpu.memory_space<hbm>>) target(%arg12 : memref<64x128xf32, #tpu.memory_space<vmem>>) target_semaphore(%run_scoped3A_370 : memref<!tpu.dma_semaphore, #tpu.memory_space<semaphore_mem>>)
      %dma_wait3A_375 = arith.constant 0 : i32
      %dma_wait3A_376 = tpu.memref_slice %arg5[%mul3A_2, %dma_wait3A_375] : memref<1024x128xf32, #tpu.memory_space<hbm>> -> memref<64x128xf32, #tpu.memory_space<hbm>>
      %dma_wait3A_377 = arith.constant 0 : i32
      %dma_wait3A_378 = tpu.memref_slice %arg5[%mul3A_2, %dma_wait3A_377] : memref<1024x128xf32, #tpu.memory_space<hbm>> -> memref<64x128xf32, #tpu.memory_space<hbm>>
      tpu.wait_dma2 semaphore(%run_scoped3A_370 : memref<!tpu.dma_semaphore, #tpu.memory_space<semaphore_mem>>) src(%dma_wait3A_378 : memref<64x128xf32, #tpu.memory_space<hbm>>) dst(%arg12 : memref<64x128xf32, #tpu.memory_space<vmem>>)
      tpu.yield
    }) : () -> ()
    "tpu.region"() ({
      %run_scoped3A_370 = tpu.sem_alloc : memref<!tpu.dma_semaphore, #tpu.memory_space<semaphore_mem>>
      %dma_start3A_371 = arith.constant 0 : i32
      %dma_start3A_372 = arith.constant 0 : i32
      %dma_start3A_373 = tpu.memref_slice %arg3[%dma_start3A_371, %dma_start3A_372] : memref<2x128xf32, #tpu.memory_space<hbm>> -> memref<1x128xf32, #tpu.memory_space<hbm>>
      %dma_start3A_374 = arith.constant 0 : i32
      %dma_start3A_375 = arith.constant 0 : i32
      %dma_start3A_376 = tpu.memref_slice %arg3[%dma_start3A_374, %dma_start3A_375] : memref<2x128xf32, #tpu.memory_space<hbm>> -> memref<1x128xf32, #tpu.memory_space<hbm>>
      tpu.enqueue_dma source(%dma_start3A_376 : memref<1x128xf32, #tpu.memory_space<hbm>>) target(%arg13 : memref<1x128xf32, #tpu.memory_space<vmem>>) target_semaphore(%run_scoped3A_370 : memref<!tpu.dma_semaphore, #tpu.memory_space<semaphore_mem>>)
      %dma_wait3A_377 = arith.constant 0 : i32
      %dma_wait3A_378 = arith.constant 0 : i32
      %dma_wait3A_379 = tpu.memref_slice %arg3[%dma_wait3A_377, %dma_wait3A_378] : memref<2x128xf32, #tpu.memory_space<hbm>> -> memref<1x128xf32, #tpu.memory_space<hbm>>
      %dma_wait3A_380 = arith.constant 0 : i32
      %dma_wait3A_381 = arith.constant 0 : i32
      %dma_wait3A_382 = tpu.memref_slice %arg3[%dma_wait3A_380, %dma_wait3A_381] : memref<2x128xf32, #tpu.memory_space<hbm>> -> memref<1x128xf32, #tpu.memory_space<hbm>>
      tpu.wait_dma2 semaphore(%run_scoped3A_370 : memref<!tpu.dma_semaphore, #tpu.memory_space<semaphore_mem>>) src(%dma_wait3A_382 : memref<1x128xf32, #tpu.memory_space<hbm>>) dst(%arg13 : memref<1x128xf32, #tpu.memory_space<vmem>>)
      tpu.yield
    }) : () -> ()
    %get3A = arith.constant 0 : i32
    %get3A_4 = arith.index_cast %get3A : i32 to index
    %get3A_5 = arith.constant 0 : index
    %get3A_6 = tpu.vector_load %arg13[%get3A_4, %get3A_5] {strides = array<i32>} : memref<1x128xf32, #tpu.memory_space<vmem>>, vector<1x16xf32>,
    %get3A_7 = vector.shape_cast %get3A_6 : vector<1x16xf32> to vector<16xf32>
    %add3A_8 = arith.constant 1.024000e-02 : f32
    %add3A_9 = vector.broadcast %add3A_8 : f32 to vector<16xf32>
    %add3A_10 = arith.addf %get3A_7, %add3A_9 : vector<16xf32>
    %broadcast_in_dim3A = arith.constant 0.000000e+00 : f32
    %broadcast_in_dim3A_11 = vector.broadcast %broadcast_in_dim3A : f32 to vector<16xf32>
    %broadcast_in_dim3A_12 = arith.constant 0.000000e+00 : f32
    %broadcast_in_dim3A_13 = vector.broadcast %broadcast_in_dim3A_12 : f32 to vector<16xf32>
    %scan3A = arith.constant 0 : i32
    %scan3A_14 = arith.constant 64 : i32
    %scan3A_15 = arith.addi %scan3A, %scan3A_14 : i32
    %scan3A_16 = arith.constant 1 : i32
    %scan3A_17:2 = scf.for %scan3A_370 = %scan3A to %scan3A_15 step %scan3A_16 iter_args(%scan3A_371 = %broadcast_in_dim3A_11, %scan3A_372 = %broadcast_in_dim3A_13) -> (vector<16xf32>, vector<16xf32>)  : i32 {
      %get3A_373 = arith.index_cast %scan3A_370 : i32 to index
      %get3A_374 = arith.constant 64 : index
      %get3A_375 = tpu.vector_load %arg10[%get3A_373, %get3A_374] {strides = array<i32>} : memref<64x128xf32, #tpu.memory_space<vmem>>, vector<1x16xf32>,
      %get3A_376 = vector.shape_cast %get3A_375 : vector<1x16xf32> to vector<16xf32>
      %get3A_377 = arith.index_cast %scan3A_370 : i32 to index
      %get3A_378 = arith.constant 64 : index
      %get3A_379 = tpu.vector_load %arg11[%get3A_377, %get3A_378] {strides = array<i32>} : memref<64x128xf32, #tpu.memory_space<vmem>>, vector<1x16xf32>,
      %get3A_380 = vector.shape_cast %get3A_379 : vector<1x16xf32> to vector<16xf32>
      %add3A_381 = arith.addf %get3A_376, %get3A_380 : vector<16xf32>
      %mul3A_382 = arith.constant 0.00999999977 : f32
      %mul3A_383 = vector.broadcast %mul3A_382 : f32 to vector<16xf32>
      %mul3A_384 = arith.mulf %mul3A_383, %add3A_381 : vector<16xf32>
      %add3A_385 = arith.constant 9.99999974E-6 : f32
      %add3A_386 = vector.broadcast %add3A_385 : f32 to vector<16xf32>
      %add3A_387 = arith.addf %mul3A_384, %add3A_386 : vector<16xf32>
      %div3A_388 = arith.divf %add3A_387, %add3A_10 : vector<16xf32>
      %mul3A_389 = arith.mulf %div3A_388, %get3A_7 : vector<16xf32>
      %div3A_390 = arith.constant 0.00999999977 : f32
      %div3A_391 = vector.broadcast %div3A_390 : f32 to vector<16xf32>
      %div3A_392 = arith.divf %div3A_391, %mul3A_389 : vector<16xf32>
      %broadcast_in_dim3A_393 = arith.constant 0.000000e+00 : f32
      %broadcast_in_dim3A_394 = vector.broadcast %broadcast_in_dim3A_393 : f32 to vector<16xf32>
      %get3A_395 = arith.index_cast %scan3A_370 : i32 to index
      %get3A_396 = arith.constant 0 : index
      %get3A_397 = tpu.vector_load %arg10[%get3A_395, %get3A_396] {strides = array<i32>} : memref<64x128xf32, #tpu.memory_space<vmem>>, vector<1x16xf32>,
      %get3A_398 = vector.shape_cast %get3A_397 : vector<1x16xf32> to vector<16xf32>
      %get3A_399 = arith.index_cast %scan3A_370 : i32 to index
      %get3A_400 = arith.constant 0 : index
      %get3A_401 = tpu.vector_load %arg11[%get3A_399, %get3A_400] {strides = array<i32>} : memref<64x128xf32, #tpu.memory_space<vmem>>, vector<1x16xf32>,
      %get3A_402 = vector.shape_cast %get3A_401 : vector<1x16xf32> to vector<16xf32>
      %add3A_403 = arith.addf %get3A_398, %get3A_402 : vector<16xf32>
      %mul3A_404 = arith.mulf %add3A_403, %div3A_392 : vector<16xf32>
      %swap3A_405 = arith.index_cast %scan3A_370 : i32 to index
      %swap3A_406 = arith.constant 0 : index
      %swap3A_407 = tpu.vector_load %arg14[%swap3A_405, %swap3A_406] {strides = array<i32>} : memref<64x128xf32, #tpu.memory_space<vmem>>, vector<1x16xf32>,
      %swap3A_408 = vector.shape_cast %swap3A_407 : vector<1x16xf32> to vector<16xf32>
      %swap3A_409 = vector.shape_cast %mul3A_404 : vector<16xf32> to vector<1x16xf32>
      tpu.vector_store %arg14[%swap3A_405, %swap3A_406], %swap3A_409 {strides = array<i32>} : memref<64x128xf32, #tpu.memory_space<vmem>>, vector<1x16xf32>,
      %get3A_410 = arith.index_cast %scan3A_370 : i32 to index
      %get3A_411 = arith.constant 0 : index
      %get3A_412 = tpu.vector_load %arg12[%get3A_410, %get3A_411] {strides = array<i32>} : memref<64x128xf32, #tpu.memory_space<vmem>>, vector<1x16xf32>,
      %get3A_413 = vector.shape_cast %get3A_412 : vector<1x16xf32> to vector<16xf32>
      %mul3A_414 = arith.constant 9.900000e+01 : f32
      %mul3A_415 = vector.broadcast %mul3A_414 : f32 to vector<16xf32>
      %mul3A_416 = arith.mulf %mul3A_415, %get3A_413 : vector<16xf32>
      %sub3A_417 = arith.subf %add3A_403, %mul3A_416 : vector<16xf32>
      %mul3A_418 = arith.mulf %mul3A_404, %sub3A_417 : vector<16xf32>
      %add3A_419 = arith.addf %scan3A_371, %mul3A_418 : vector<16xf32>
      %mul3A_420 = arith.mulf %mul3A_404, %mul3A_404 : vector<16xf32>
      %add3A_421 = arith.addf %broadcast_in_dim3A_394, %mul3A_420 : vector<16xf32>
      %get3A_422 = arith.index_cast %scan3A_370 : i32 to index
      %get3A_423 = arith.constant 16 : index
      %get3A_424 = tpu.vector_load %arg10[%get3A_422, %get3A_423] {strides = array<i32>} : memref<64x128xf32, #tpu.memory_space<vmem>>, vector<1x16xf32>,
      %get3A_425 = vector.shape_cast %get3A_424 : vector<1x16xf32> to vector<16xf32>
      %get3A_426 = arith.index_cast %scan3A_370 : i32 to index
      %get3A_427 = arith.constant 16 : index
      %get3A_428 = tpu.vector_load %arg11[%get3A_426, %get3A_427] {strides = array<i32>} : memref<64x128xf32, #tpu.memory_space<vmem>>, vector<1x16xf32>,
      %get3A_429 = vector.shape_cast %get3A_428 : vector<1x16xf32> to vector<16xf32>
      %add3A_430 = arith.addf %get3A_425, %get3A_429 : vector<16xf32>
      %mul3A_431 = arith.mulf %add3A_430, %div3A_392 : vector<16xf32>
      %swap3A_432 = arith.index_cast %scan3A_370 : i32 to index
      %swap3A_433 = arith.constant 16 : index
      %swap3A_434 = tpu.vector_load %arg14[%swap3A_432, %swap3A_433] {strides = array<i32>} : memref<64x128xf32, #tpu.memory_space<vmem>>, vector<1x16xf32>,
      %swap3A_435 = vector.shape_cast %swap3A_434 : vector<1x16xf32> to vector<16xf32>
      %swap3A_436 = vector.shape_cast %mul3A_431 : vector<16xf32> to vector<1x16xf32>
      tpu.vector_store %arg14[%swap3A_432, %swap3A_433], %swap3A_436 {strides = array<i32>} : memref<64x128xf32, #tpu.memory_space<vmem>>, vector<1x16xf32>,
      %get3A_437 = arith.index_cast %scan3A_370 : i32 to index
      %get3A_438 = arith.constant 16 : index
      %get3A_439 = tpu.vector_load %arg12[%get3A_437, %get3A_438] {strides = array<i32>} : memref<64x128xf32, #tpu.memory_space<vmem>>, vector<1x16xf32>,
      %get3A_440 = vector.shape_cast %get3A_439 : vector<1x16xf32> to vector<16xf32>
      %mul3A_441 = arith.constant 9.900000e+01 : f32
      %mul3A_442 = vector.broadcast %mul3A_441 : f32 to vector<16xf32>
      %mul3A_443 = arith.mulf %mul3A_442, %get3A_440 : vector<16xf32>
      %sub3A_444 = arith.subf %add3A_430, %mul3A_443 : vector<16xf32>
      %mul3A_445 = arith.mulf %mul3A_431, %sub3A_444 : vector<16xf32>
      %add3A_446 = arith.addf %add3A_419, %mul3A_445 : vector<16xf32>
      %mul3A_447 = arith.mulf %mul3A_431, %mul3A_431 : vector<16xf32>
      %add3A_448 = arith.addf %add3A_421, %mul3A_447 : vector<16xf32>
      %get3A_449 = arith.index_cast %scan3A_370 : i32 to index
      %get3A_450 = arith.constant 32 : index
      %get3A_451 = tpu.vector_load %arg10[%get3A_449, %get3A_450] {strides = array<i32>} : memref<64x128xf32, #tpu.memory_space<vmem>>, vector<1x16xf32>,
      %get3A_452 = vector.shape_cast %get3A_451 : vector<1x16xf32> to vector<16xf32>
      %get3A_453 = arith.index_cast %scan3A_370 : i32 to index
      %get3A_454 = arith.constant 32 : index
      %get3A_455 = tpu.vector_load %arg11[%get3A_453, %get3A_454] {strides = array<i32>} : memref<64x128xf32, #tpu.memory_space<vmem>>, vector<1x16xf32>,
      %get3A_456 = vector.shape_cast %get3A_455 : vector<1x16xf32> to vector<16xf32>
      %add3A_457 = arith.addf %get3A_452, %get3A_456 : vector<16xf32>
      %mul3A_458 = arith.mulf %add3A_457, %div3A_392 : vector<16xf32>
      %swap3A_459 = arith.index_cast %scan3A_370 : i32 to index
      %swap3A_460 = arith.constant 32 : index
      %swap3A_461 = tpu.vector_load %arg14[%swap3A_459, %swap3A_460] {strides = array<i32>} : memref<64x128xf32, #tpu.memory_space<vmem>>, vector<1x16xf32>,
      %swap3A_462 = vector.shape_cast %swap3A_461 : vector<1x16xf32> to vector<16xf32>
      %swap3A_463 = vector.shape_cast %mul3A_458 : vector<16xf32> to vector<1x16xf32>
      tpu.vector_store %arg14[%swap3A_459, %swap3A_460], %swap3A_463 {strides = array<i32>} : memref<64x128xf32, #tpu.memory_space<vmem>>, vector<1x16xf32>,
      %get3A_464 = arith.index_cast %scan3A_370 : i32 to index
      %get3A_465 = arith.constant 32 : index
      %get3A_466 = tpu.vector_load %arg12[%get3A_464, %get3A_465] {strides = array<i32>} : memref<64x128xf32, #tpu.memory_space<vmem>>, vector<1x16xf32>,
      %get3A_467 = vector.shape_cast %get3A_466 : vector<1x16xf32> to vector<16xf32>
      %mul3A_468 = arith.constant 9.900000e+01 : f32
      %mul3A_469 = vector.broadcast %mul3A_468 : f32 to vector<16xf32>
      %mul3A_470 = arith.mulf %mul3A_469, %get3A_467 : vector<16xf32>
      %sub3A_471 = arith.subf %add3A_457, %mul3A_470 : vector<16xf32>
      %mul3A_472 = arith.mulf %mul3A_458, %sub3A_471 : vector<16xf32>
      %add3A_473 = arith.addf %add3A_446, %mul3A_472 : vector<16xf32>
      %mul3A_474 = arith.mulf %mul3A_458, %mul3A_458 : vector<16xf32>
      %add3A_475 = arith.addf %add3A_448, %mul3A_474 : vector<16xf32>
      %get3A_476 = arith.index_cast %scan3A_370 : i32 to index
      %get3A_477 = arith.constant 48 : index
      %get3A_478 = tpu.vector_load %arg10[%get3A_476, %get3A_477] {strides = array<i32>} : memref<64x128xf32, #tpu.memory_space<vmem>>, vector<1x16xf32>,
      %get3A_479 = vector.shape_cast %get3A_478 : vector<1x16xf32> to vector<16xf32>
      %get3A_480 = arith.index_cast %scan3A_370 : i32 to index
      %get3A_481 = arith.constant 48 : index
      %get3A_482 = tpu.vector_load %arg11[%get3A_480, %get3A_481] {strides = array<i32>} : memref<64x128xf32, #tpu.memory_space<vmem>>, vector<1x16xf32>,
      %get3A_483 = vector.shape_cast %get3A_482 : vector<1x16xf32> to vector<16xf32>
      %add3A_484 = arith.addf %get3A_479, %get3A_483 : vector<16xf32>
      %mul3A_485 = arith.mulf %add3A_484, %div3A_392 : vector<16xf32>
      %swap3A_486 = arith.index_cast %scan3A_370 : i32 to index
      %swap3A_487 = arith.constant 48 : index
      %swap3A_488 = tpu.vector_load %arg14[%swap3A_486, %swap3A_487] {strides = array<i32>} : memref<64x128xf32, #tpu.memory_space<vmem>>, vector<1x16xf32>,
      %swap3A_489 = vector.shape_cast %swap3A_488 : vector<1x16xf32> to vector<16xf32>
      %swap3A_490 = vector.shape_cast %mul3A_485 : vector<16xf32> to vector<1x16xf32>
      tpu.vector_store %arg14[%swap3A_486, %swap3A_487], %swap3A_490 {strides = array<i32>} : memref<64x128xf32, #tpu.memory_space<vmem>>, vector<1x16xf32>,
      %get3A_491 = arith.index_cast %scan3A_370 : i32 to index
      %get3A_492 = arith.constant 48 : index
      %get3A_493 = tpu.vector_load %arg12[%get3A_491, %get3A_492] {strides = array<i32>} : memref<64x128xf32, #tpu.memory_space<vmem>>, vector<1x16xf32>,
      %get3A_494 = vector.shape_cast %get3A_493 : vector<1x16xf32> to vector<16xf32>
      %mul3A_495 = arith.constant 9.900000e+01 : f32
      %mul3A_496 = vector.broadcast %mul3A_495 : f32 to vector<16xf32>
      %mul3A_497 = arith.mulf %mul3A_496, %get3A_494 : vector<16xf32>
      %sub3A_498 = arith.subf %add3A_484, %mul3A_497 : vector<16xf32>
      %mul3A_499 = arith.mulf %mul3A_485, %sub3A_498 : vector<16xf32>
      %add3A_500 = arith.addf %add3A_473, %mul3A_499 : vector<16xf32>
      %mul3A_501 = arith.mulf %mul3A_485, %mul3A_485 : vector<16xf32>
      %add3A_502 = arith.addf %add3A_475, %mul3A_501 : vector<16xf32>
      %mul3A_503 = arith.mulf %add3A_381, %add3A_502 : vector<16xf32>
      %add3A_504 = arith.addf %scan3A_372, %mul3A_503 : vector<16xf32>
      scf.yield %add3A_500, %add3A_504 : vector<16xf32>, vector<16xf32>
    }
    %scan3A_18 = arith.constant 64 : i32
    %swap3A = arith.constant 0 : i32
    %swap3A_19 = arith.index_cast %swap3A : i32 to index
    %swap3A_20 = arith.constant 0 : index
    %swap3A_21 = tpu.vector_load %arg15[%swap3A_19, %swap3A_20] {strides = array<i32>} : memref<2x16xf32, #tpu.memory_space<vmem>>, vector<1x16xf32>,
    %swap3A_22 = vector.shape_cast %swap3A_21 : vector<1x16xf32> to vector<16xf32>
    %swap3A_23 = vector.shape_cast %scan3A_17#0 : vector<16xf32> to vector<1x16xf32>
    tpu.vector_store %arg15[%swap3A_19, %swap3A_20], %swap3A_23 {strides = array<i32>} : memref<2x16xf32, #tpu.memory_space<vmem>>, vector<1x16xf32>,
    %swap3A_24 = arith.constant 1 : i32
    %swap3A_25 = arith.index_cast %swap3A_24 : i32 to index
    %swap3A_26 = arith.constant 0 : index
    %swap3A_27 = tpu.vector_load %arg15[%swap3A_25, %swap3A_26] {strides = array<i32>} : memref<2x16xf32, #tpu.memory_space<vmem>>, vector<1x16xf32>,
    %swap3A_28 = vector.shape_cast %swap3A_27 : vector<1x16xf32> to vector<16xf32>
    %swap3A_29 = vector.shape_cast %scan3A_17#1 : vector<16xf32> to vector<1x16xf32>
    tpu.vector_store %arg15[%swap3A_25, %swap3A_26], %swap3A_29 {strides = array<i32>} : memref<2x16xf32, #tpu.memory_space<vmem>>, vector<1x16xf32>,
    "tpu.region"() ({
      %run_scoped3A_370 = tpu.sem_alloc : memref<!tpu.dma_semaphore, #tpu.memory_space<semaphore_mem>>
      %dma_start3A_371 = arith.constant 0 : i32
      %dma_start3A_372 = arith.constant 0 : i32
      %dma_start3A_373 = tpu.memref_slice %arg7[%add3A, %dma_start3A_371, %dma_start3A_372] : memref<32x2x16xf32, #tpu.memory_space<hbm>> -> memref<1x2x16xf32, #tpu.memory_space<hbm>>
      %dma_start3A_374 = tpu.memref_squeeze %dma_start3A_373 : memref<1x2x16xf32, #tpu.memory_space<hbm>> -> memref<2x16xf32, #tpu.memory_space<hbm>>
      %dma_start3A_375 = arith.constant 0 : i32
      %dma_start3A_376 = arith.constant 0 : i32
      %dma_start3A_377 = tpu.memref_slice %arg7[%add3A, %dma_start3A_375, %dma_start3A_376] : memref<32x2x16xf32, #tpu.memory_space<hbm>> -> memref<1x2x16xf32, #tpu.memory_space<hbm>>
      %dma_start3A_378 = tpu.memref_squeeze %dma_start3A_377 : memref<1x2x16xf32, #tpu.memory_space<hbm>> -> memref<2x16xf32, #tpu.memory_space<hbm>>
      tpu.enqueue_dma source(%arg15 : memref<2x16xf32, #tpu.memory_space<vmem>>) target(%dma_start3A_378 : memref<2x16xf32, #tpu.memory_space<hbm>>) target_semaphore(%run_scoped3A_370 : memref<!tpu.dma_semaphore, #tpu.memory_space<semaphore_mem>>)
      %dma_wait3A_379 = arith.constant 0 : i32
      %dma_wait3A_380 = arith.constant 0 : i32
      %dma_wait3A_381 = tpu.memref_slice %arg7[%add3A, %dma_wait3A_379, %dma_wait3A_380] : memref<32x2x16xf32, #tpu.memory_space<hbm>> -> memref<1x2x16xf32, #tpu.memory_space<hbm>>
      %dma_wait3A_382 = tpu.memref_squeeze %dma_wait3A_381 : memref<1x2x16xf32, #tpu.memory_space<hbm>> -> memref<2x16xf32, #tpu.memory_space<hbm>>
      %dma_wait3A_383 = arith.constant 0 : i32
      %dma_wait3A_384 = arith.constant 0 : i32
      %dma_wait3A_385 = tpu.memref_slice %arg7[%add3A, %dma_wait3A_383, %dma_wait3A_384] : memref<32x2x16xf32, #tpu.memory_space<hbm>> -> memref<1x2x16xf32, #tpu.memory_space<hbm>>
      %dma_wait3A_386 = tpu.memref_squeeze %dma_wait3A_385 : memref<1x2x16xf32, #tpu.memory_space<hbm>> -> memref<2x16xf32, #tpu.memory_space<hbm>>
      tpu.wait_dma2 semaphore(%run_scoped3A_370 : memref<!tpu.dma_semaphore, #tpu.memory_space<semaphore_mem>>) src(%arg15 : memref<2x16xf32, #tpu.memory_space<vmem>>) dst(%dma_wait3A_386 : memref<2x16xf32, #tpu.memory_space<hbm>>)
      tpu.yield
    }) : () -> ()
    "tpu.region"() ({
      %run_scoped3A_370 = tpu.sem_alloc : memref<!tpu.dma_semaphore, #tpu.memory_space<semaphore_mem>>
      %dma_start3A_371 = arith.constant 0 : i32
      %dma_start3A_372 = tpu.memref_slice %arg16[%mul3A_2, %dma_start3A_371] : memref<1024x128xf32, #tpu.memory_space<vmem_shared>> -> memref<64x128xf32, #tpu.memory_space<vmem_shared>>
      %dma_start3A_373 = arith.constant 0 : i32
      %dma_start3A_374 = tpu.memref_slice %arg16[%mul3A_2, %dma_start3A_373] : memref<1024x128xf32, #tpu.memory_space<vmem_shared>> -> memref<64x128xf32, #tpu.memory_space<vmem_shared>>
      tpu.enqueue_dma source(%arg14 : memref<64x128xf32, #tpu.memory_space<vmem>>) target(%dma_start3A_374 : memref<64x128xf32, #tpu.memory_space<vmem_shared>>) target_semaphore(%run_scoped3A_370 : memref<!tpu.dma_semaphore, #tpu.memory_space<semaphore_mem>>)
      %dma_wait3A_375 = arith.constant 0 : i32
      %dma_wait3A_376 = tpu.memref_slice %arg16[%mul3A_2, %dma_wait3A_375] : memref<1024x128xf32, #tpu.memory_space<vmem_shared>> -> memref<64x128xf32, #tpu.memory_space<vmem_shared>>
      %dma_wait3A_377 = arith.constant 0 : i32
      %dma_wait3A_378 = tpu.memref_slice %arg16[%mul3A_2, %dma_wait3A_377] : memref<1024x128xf32, #tpu.memory_space<vmem_shared>> -> memref<64x128xf32, #tpu.memory_space<vmem_shared>>
      tpu.wait_dma2 semaphore(%run_scoped3A_370 : memref<!tpu.dma_semaphore, #tpu.memory_space<semaphore_mem>>) src(%arg14 : memref<64x128xf32, #tpu.memory_space<vmem>>) dst(%dma_wait3A_378 : memref<64x128xf32, #tpu.memory_space<vmem_shared>>)
      tpu.yield
    }) : () -> ()
    %barrier3A = arith.constant 0 : index
    tpu.barrier barrier_id(%barrier3A)
    %dma_start3A = arith.constant 0 : i32
    %dma_start3A_30 = arith.constant 0 : i32
    %dma_start3A_31 = arith.constant 0 : i32
    %dma_start3A_32 = tpu.memref_slice %arg9[%dma_start3A_30, %dma_start3A_31] : memref<512x128xf32, #tpu.memory_space<vmem>> -> memref<128x128xf32, #tpu.memory_space<vmem>>
    %dma_start3A_33 = arith.constant 0 : i32
    %dma_start3A_34 = tpu.memref_slice %arg8[%dma_start3A, %dma_start3A_33] : memref<4x128xi32, #tpu.memory_space<vmem>> -> memref<1x128xi32, #tpu.memory_space<vmem>>
    %dma_start3A_35 = tpu.memref_squeeze %dma_start3A_34 : memref<1x128xi32, #tpu.memory_space<vmem>> -> memref<128xi32, #tpu.memory_space<vmem>>
    %dma_start3A_36 = arith.constant 0 : i32
    %dma_start3A_37 = arith.constant 0 : i32
    %dma_start3A_38 = tpu.memref_slice %arg16[%dma_start3A_36, %dma_start3A_37] : memref<1024x128xf32, #tpu.memory_space<vmem_shared>> -> memref<1024x128xf32, #tpu.memory_space<vmem_shared>>
    tpu.enqueue_indirect_dma source(%dma_start3A_38 : memref<1024x128xf32, #tpu.memory_space<vmem_shared>>) target(%dma_start3A_32 : memref<128x128xf32, #tpu.memory_space<vmem>>) offsets(%dma_start3A_35 : memref<128xi32, #tpu.memory_space<vmem>>) semaphore(%arg17 : memref<!tpu.dma_semaphore, #tpu.memory_space<semaphore_mem>>)
    %dma_start3A_39 = arith.constant 1 : i32
    %dma_start3A_40 = arith.constant 128 : i32
    %dma_start3A_41 = arith.constant 0 : i32
    %dma_start3A_42 = tpu.memref_slice %arg9[%dma_start3A_40, %dma_start3A_41] : memref<512x128xf32, #tpu.memory_space<vmem>> -> memref<128x128xf32, #tpu.memory_space<vmem>>
    %dma_start3A_43 = arith.constant 0 : i32
    %dma_start3A_44 = tpu.memref_slice %arg8[%dma_start3A_39, %dma_start3A_43] : memref<4x128xi32, #tpu.memory_space<vmem>> -> memref<1x128xi32, #tpu.memory_space<vmem>>
    %dma_start3A_45 = tpu.memref_squeeze %dma_start3A_44 : memref<1x128xi32, #tpu.memory_space<vmem>> -> memref<128xi32, #tpu.memory_space<vmem>>
    %dma_start3A_46 = arith.constant 0 : i32
    %dma_start3A_47 = arith.constant 0 : i32
    %dma_start3A_48 = tpu.memref_slice %arg16[%dma_start3A_46, %dma_start3A_47] : memref<1024x128xf32, #tpu.memory_space<vmem_shared>> -> memref<1024x128xf32, #tpu.memory_space<vmem_shared>>
    tpu.enqueue_indirect_dma source(%dma_start3A_48 : memref<1024x128xf32, #tpu.memory_space<vmem_shared>>) target(%dma_start3A_42 : memref<128x128xf32, #tpu.memory_space<vmem>>) offsets(%dma_start3A_45 : memref<128xi32, #tpu.memory_space<vmem>>) semaphore(%arg17 : memref<!tpu.dma_semaphore, #tpu.memory_space<semaphore_mem>>)
    %dma_start3A_49 = arith.constant 2 : i32
    %dma_start3A_50 = arith.constant 256 : i32
    %dma_start3A_51 = arith.constant 0 : i32
    %dma_start3A_52 = tpu.memref_slice %arg9[%dma_start3A_50, %dma_start3A_51] : memref<512x128xf32, #tpu.memory_space<vmem>> -> memref<128x128xf32, #tpu.memory_space<vmem>>
    %dma_start3A_53 = arith.constant 0 : i32
    %dma_start3A_54 = tpu.memref_slice %arg8[%dma_start3A_49, %dma_start3A_53] : memref<4x128xi32, #tpu.memory_space<vmem>> -> memref<1x128xi32, #tpu.memory_space<vmem>>
    %dma_start3A_55 = tpu.memref_squeeze %dma_start3A_54 : memref<1x128xi32, #tpu.memory_space<vmem>> -> memref<128xi32, #tpu.memory_space<vmem>>
    %dma_start3A_56 = arith.constant 0 : i32
    %dma_start3A_57 = arith.constant 0 : i32
    %dma_start3A_58 = tpu.memref_slice %arg16[%dma_start3A_56, %dma_start3A_57] : memref<1024x128xf32, #tpu.memory_space<vmem_shared>> -> memref<1024x128xf32, #tpu.memory_space<vmem_shared>>
    tpu.enqueue_indirect_dma source(%dma_start3A_58 : memref<1024x128xf32, #tpu.memory_space<vmem_shared>>) target(%dma_start3A_52 : memref<128x128xf32, #tpu.memory_space<vmem>>) offsets(%dma_start3A_55 : memref<128xi32, #tpu.memory_space<vmem>>) semaphore(%arg17 : memref<!tpu.dma_semaphore, #tpu.memory_space<semaphore_mem>>)
    %dma_start3A_59 = arith.constant 3 : i32
    %dma_start3A_60 = arith.constant 384 : i32
    %dma_start3A_61 = arith.constant 0 : i32
    %dma_start3A_62 = tpu.memref_slice %arg9[%dma_start3A_60, %dma_start3A_61] : memref<512x128xf32, #tpu.memory_space<vmem>> -> memref<128x128xf32, #tpu.memory_space<vmem>>
    %dma_start3A_63 = arith.constant 0 : i32
    %dma_start3A_64 = tpu.memref_slice %arg8[%dma_start3A_59, %dma_start3A_63] : memref<4x128xi32, #tpu.memory_space<vmem>> -> memref<1x128xi32, #tpu.memory_space<vmem>>
    %dma_start3A_65 = tpu.memref_squeeze %dma_start3A_64 : memref<1x128xi32, #tpu.memory_space<vmem>> -> memref<128xi32, #tpu.memory_space<vmem>>
    %dma_start3A_66 = arith.constant 0 : i32
    %dma_start3A_67 = arith.constant 0 : i32
    %dma_start3A_68 = tpu.memref_slice %arg16[%dma_start3A_66, %dma_start3A_67] : memref<1024x128xf32, #tpu.memory_space<vmem_shared>> -> memref<1024x128xf32, #tpu.memory_space<vmem_shared>>
    tpu.enqueue_indirect_dma source(%dma_start3A_68 : memref<1024x128xf32, #tpu.memory_space<vmem_shared>>) target(%dma_start3A_62 : memref<128x128xf32, #tpu.memory_space<vmem>>) offsets(%dma_start3A_65 : memref<128xi32, #tpu.memory_space<vmem>>) semaphore(%arg17 : memref<!tpu.dma_semaphore, #tpu.memory_space<semaphore_mem>>)
    %dma_wait3A = arith.constant 0 : i32
    %dma_wait3A_69 = arith.constant 0 : i32
    %dma_wait3A_70 = arith.constant 0 : i32
    %dma_wait3A_71 = tpu.memref_slice %arg9[%dma_wait3A_69, %dma_wait3A_70] : memref<512x128xf32, #tpu.memory_space<vmem>> -> memref<128x128xf32, #tpu.memory_space<vmem>>
    %dma_wait3A_72 = arith.constant 0 : i32
    %dma_wait3A_73 = tpu.memref_slice %arg8[%dma_wait3A, %dma_wait3A_72] : memref<4x128xi32, #tpu.memory_space<vmem>> -> memref<1x128xi32, #tpu.memory_space<vmem>>
    %dma_wait3A_74 = tpu.memref_squeeze %dma_wait3A_73 : memref<1x128xi32, #tpu.memory_space<vmem>> -> memref<128xi32, #tpu.memory_space<vmem>>
    %dma_wait3A_75 = arith.constant 0 : i32
    %dma_wait3A_76 = arith.constant 0 : i32
    %dma_wait3A_77 = tpu.memref_slice %arg16[%dma_wait3A_75, %dma_wait3A_76] : memref<1024x128xf32, #tpu.memory_space<vmem_shared>> -> memref<1024x128xf32, #tpu.memory_space<vmem_shared>>
    tpu.wait_indirect_dma semaphore(%arg17 : memref<!tpu.dma_semaphore, #tpu.memory_space<semaphore_mem>>) src(%dma_wait3A_77 : memref<1024x128xf32, #tpu.memory_space<vmem_shared>>) dst(%dma_wait3A_71 : memref<128x128xf32, #tpu.memory_space<vmem>>)
    %jit3A = arith.constant 2 : i32
    %div3A = arith.divsi %add3A, %jit3A : i32
    %sign3A = arith.constant 0 : i32
    %sign3A_78 = arith.cmpi sgt, %add3A, %sign3A : i32
    %sign3A_79 = arith.extui %sign3A_78 : i1 to i32
    %sign3A_80 = arith.constant 0 : i32
    %sign3A_81 = arith.cmpi slt, %add3A, %sign3A_80 : i32
    %sign3A_82 = arith.extui %sign3A_81 : i1 to i32
    %sign3A_83 = arith.subi %sign3A_79, %sign3A_82 : i32
    %sign3A_84 = arith.constant 0 : i32
    %sign3A_85 = arith.cmpi sgt, %jit3A, %sign3A_84 : i32
    %sign3A_86 = arith.extui %sign3A_85 : i1 to i32
    %sign3A_87 = arith.constant 0 : i32
    %sign3A_88 = arith.cmpi slt, %jit3A, %sign3A_87 : i32
    %sign3A_89 = arith.extui %sign3A_88 : i1 to i32
    %sign3A_90 = arith.subi %sign3A_86, %sign3A_89 : i32
    %ne3A = arith.cmpi ne, %sign3A_83, %sign3A_90 : i32
    %rem3A = arith.remsi %add3A, %jit3A : i32
    %ne3A_91 = arith.constant 0 : i32
    %ne3A_92 = arith.cmpi ne, %rem3A, %ne3A_91 : i32
    %and3A = arith.andi %ne3A, %ne3A_92 : i1
    %sub3A = arith.constant 1 : i32
    %sub3A_93 = arith.subi %div3A, %sub3A : i32
    %select_n3A = arith.select %and3A, %sub3A_93, %div3A : i32
    %jit3A_94 = arith.constant 2 : i32
    %eq3A = arith.constant 0 : i32
    %eq3A_95 = arith.cmpi eq, %jit3A_94, %eq3A : i32
    %jit3A_96 = arith.constant 1 : i32
    %select_n3A_97 = arith.select %eq3A_95, %jit3A_96, %jit3A_94 : i32
    %rem3A_98 = arith.remsi %add3A, %select_n3A_97 : i32
    %ne3A_99 = arith.constant 0 : i32
    %ne3A_100 = arith.cmpi ne, %rem3A_98, %ne3A_99 : i32
    %lt3A = arith.constant 0 : i32
    %lt3A_101 = arith.cmpi slt, %rem3A_98, %lt3A : i32
    %lt3A_102 = arith.constant 0 : i32
    %lt3A_103 = arith.cmpi slt, %select_n3A_97, %lt3A_102 : i32
    %ne3A_104 = arith.xori %lt3A_101, %lt3A_103 : i1
    %and3A_105 = arith.andi %ne3A_104, %ne3A_100 : i1
    %add3A_106 = arith.addi %rem3A_98, %select_n3A_97 : i32
    %select_n3A_107 = arith.select %and3A_105, %add3A_106, %rem3A_98 : i32
    %mul3A_108 = arith.constant 512 : i32
    %mul3A_109 = arith.muli %select_n3A_107, %mul3A_108 : i32
    %add3A_110 = arith.constant 0 : i32
    %add3A_111 = arith.addi %mul3A_109, %add3A_110 : i32
    %dma_start3A_112 = arith.constant 0 : i32
    %dma_start3A_113 = arith.constant 0 : i32
    %dma_start3A_114 = tpu.memref_slice %arg9[%dma_start3A_112, %dma_start3A_113] : memref<512x128xf32, #tpu.memory_space<vmem>> -> memref<128x128xf32, #tpu.memory_space<vmem>>
    %dma_start3A_115 = arith.constant 0 : i32
    %dma_start3A_116 = tpu.memref_slice %arg6[%select_n3A, %add3A_111, %dma_start3A_115] : memref<16x1024x128xf32, #tpu.memory_space<hbm>> -> memref<1x128x128xf32, #tpu.memory_space<hbm>>
    %dma_start3A_117 = tpu.memref_squeeze %dma_start3A_116 : memref<1x128x128xf32, #tpu.memory_space<hbm>> -> memref<128x128xf32, #tpu.memory_space<hbm>>
    %dma_start3A_118 = arith.constant 0 : i32
    %dma_start3A_119 = tpu.memref_slice %arg6[%select_n3A, %add3A_111, %dma_start3A_118] : memref<16x1024x128xf32, #tpu.memory_space<hbm>> -> memref<1x128x128xf32, #tpu.memory_space<hbm>>
    %dma_start3A_120 = tpu.memref_squeeze %dma_start3A_119 : memref<1x128x128xf32, #tpu.memory_space<hbm>> -> memref<128x128xf32, #tpu.memory_space<hbm>>
    %dma_start3A_121 = arith.constant 0 : i32
    %dma_start3A_122 = arith.constant 0 : i32
    %dma_start3A_123 = tpu.memref_slice %arg9[%dma_start3A_121, %dma_start3A_122] : memref<512x128xf32, #tpu.memory_space<vmem>> -> memref<128x128xf32, #tpu.memory_space<vmem>>
    tpu.enqueue_dma source(%dma_start3A_123 : memref<128x128xf32, #tpu.memory_space<vmem>>) target(%dma_start3A_120 : memref<128x128xf32, #tpu.memory_space<hbm>>) target_semaphore(%arg18 : memref<!tpu.dma_semaphore, #tpu.memory_space<semaphore_mem>>)
    %dma_wait3A_124 = arith.constant 1 : i32
    %dma_wait3A_125 = arith.constant 128 : i32
    %dma_wait3A_126 = arith.constant 0 : i32
    %dma_wait3A_127 = tpu.memref_slice %arg9[%dma_wait3A_125, %dma_wait3A_126] : memref<512x128xf32, #tpu.memory_space<vmem>> -> memref<128x128xf32, #tpu.memory_space<vmem>>
    %dma_wait3A_128 = arith.constant 0 : i32
    %dma_wait3A_129 = tpu.memref_slice %arg8[%dma_wait3A_124, %dma_wait3A_128] : memref<4x128xi32, #tpu.memory_space<vmem>> -> memref<1x128xi32, #tpu.memory_space<vmem>>
    %dma_wait3A_130 = tpu.memref_squeeze %dma_wait3A_129 : memref<1x128xi32, #tpu.memory_space<vmem>> -> memref<128xi32, #tpu.memory_space<vmem>>
    %dma_wait3A_131 = arith.constant 0 : i32
    %dma_wait3A_132 = arith.constant 0 : i32
    %dma_wait3A_133 = tpu.memref_slice %arg16[%dma_wait3A_131, %dma_wait3A_132] : memref<1024x128xf32, #tpu.memory_space<vmem_shared>> -> memref<1024x128xf32, #tpu.memory_space<vmem_shared>>
    tpu.wait_indirect_dma semaphore(%arg17 : memref<!tpu.dma_semaphore, #tpu.memory_space<semaphore_mem>>) src(%dma_wait3A_133 : memref<1024x128xf32, #tpu.memory_space<vmem_shared>>) dst(%dma_wait3A_127 : memref<128x128xf32, #tpu.memory_space<vmem>>)
    %jit3A_134 = arith.constant 2 : i32
    %div3A_135 = arith.divsi %add3A, %jit3A_134 : i32
    %sign3A_136 = arith.constant 0 : i32
    %sign3A_137 = arith.cmpi sgt, %add3A, %sign3A_136 : i32
    %sign3A_138 = arith.extui %sign3A_137 : i1 to i32
    %sign3A_139 = arith.constant 0 : i32
    %sign3A_140 = arith.cmpi slt, %add3A, %sign3A_139 : i32
    %sign3A_141 = arith.extui %sign3A_140 : i1 to i32
    %sign3A_142 = arith.subi %sign3A_138, %sign3A_141 : i32
    %sign3A_143 = arith.constant 0 : i32
    %sign3A_144 = arith.cmpi sgt, %jit3A_134, %sign3A_143 : i32
    %sign3A_145 = arith.extui %sign3A_144 : i1 to i32
    %sign3A_146 = arith.constant 0 : i32
    %sign3A_147 = arith.cmpi slt, %jit3A_134, %sign3A_146 : i32
    %sign3A_148 = arith.extui %sign3A_147 : i1 to i32
    %sign3A_149 = arith.subi %sign3A_145, %sign3A_148 : i32
    %ne3A_150 = arith.cmpi ne, %sign3A_142, %sign3A_149 : i32
    %rem3A_151 = arith.remsi %add3A, %jit3A_134 : i32
    %ne3A_152 = arith.constant 0 : i32
    %ne3A_153 = arith.cmpi ne, %rem3A_151, %ne3A_152 : i32
    %and3A_154 = arith.andi %ne3A_150, %ne3A_153 : i1
    %sub3A_155 = arith.constant 1 : i32
    %sub3A_156 = arith.subi %div3A_135, %sub3A_155 : i32
    %select_n3A_157 = arith.select %and3A_154, %sub3A_156, %div3A_135 : i32
    %jit3A_158 = arith.constant 2 : i32
    %eq3A_159 = arith.constant 0 : i32
    %eq3A_160 = arith.cmpi eq, %jit3A_158, %eq3A_159 : i32
    %jit3A_161 = arith.constant 1 : i32
    %select_n3A_162 = arith.select %eq3A_160, %jit3A_161, %jit3A_158 : i32
    %rem3A_163 = arith.remsi %add3A, %select_n3A_162 : i32
    %ne3A_164 = arith.constant 0 : i32
    %ne3A_165 = arith.cmpi ne, %rem3A_163, %ne3A_164 : i32
    %lt3A_166 = arith.constant 0 : i32
    %lt3A_167 = arith.cmpi slt, %rem3A_163, %lt3A_166 : i32
    %lt3A_168 = arith.constant 0 : i32
    %lt3A_169 = arith.cmpi slt, %select_n3A_162, %lt3A_168 : i32
    %ne3A_170 = arith.xori %lt3A_167, %lt3A_169 : i1
    %and3A_171 = arith.andi %ne3A_170, %ne3A_165 : i1
    %add3A_172 = arith.addi %rem3A_163, %select_n3A_162 : i32
    %select_n3A_173 = arith.select %and3A_171, %add3A_172, %rem3A_163 : i32
    %mul3A_174 = arith.constant 512 : i32
    %mul3A_175 = arith.muli %select_n3A_173, %mul3A_174 : i32
    %add3A_176 = arith.constant 128 : i32
    %add3A_177 = arith.addi %mul3A_175, %add3A_176 : i32
    %dma_start3A_178 = arith.constant 128 : i32
    %dma_start3A_179 = arith.constant 0 : i32
    %dma_start3A_180 = tpu.memref_slice %arg9[%dma_start3A_178, %dma_start3A_179] : memref<512x128xf32, #tpu.memory_space<vmem>> -> memref<128x128xf32, #tpu.memory_space<vmem>>
    %dma_start3A_181 = arith.constant 0 : i32
    %dma_start3A_182 = tpu.memref_slice %arg6[%select_n3A_157, %add3A_177, %dma_start3A_181] : memref<16x1024x128xf32, #tpu.memory_space<hbm>> -> memref<1x128x128xf32, #tpu.memory_space<hbm>>
    %dma_start3A_183 = tpu.memref_squeeze %dma_start3A_182 : memref<1x128x128xf32, #tpu.memory_space<hbm>> -> memref<128x128xf32, #tpu.memory_space<hbm>>
    %dma_start3A_184 = arith.constant 0 : i32
    %dma_start3A_185 = tpu.memref_slice %arg6[%select_n3A_157, %add3A_177, %dma_start3A_184] : memref<16x1024x128xf32, #tpu.memory_space<hbm>> -> memref<1x128x128xf32, #tpu.memory_space<hbm>>
    %dma_start3A_186 = tpu.memref_squeeze %dma_start3A_185 : memref<1x128x128xf32, #tpu.memory_space<hbm>> -> memref<128x128xf32, #tpu.memory_space<hbm>>
    %dma_start3A_187 = arith.constant 128 : i32
    %dma_start3A_188 = arith.constant 0 : i32
    %dma_start3A_189 = tpu.memref_slice %arg9[%dma_start3A_187, %dma_start3A_188] : memref<512x128xf32, #tpu.memory_space<vmem>> -> memref<128x128xf32, #tpu.memory_space<vmem>>
    tpu.enqueue_dma source(%dma_start3A_189 : memref<128x128xf32, #tpu.memory_space<vmem>>) target(%dma_start3A_186 : memref<128x128xf32, #tpu.memory_space<hbm>>) target_semaphore(%arg18 : memref<!tpu.dma_semaphore, #tpu.memory_space<semaphore_mem>>)
    %dma_wait3A_190 = arith.constant 2 : i32
    %dma_wait3A_191 = arith.constant 256 : i32
    %dma_wait3A_192 = arith.constant 0 : i32
    %dma_wait3A_193 = tpu.memref_slice %arg9[%dma_wait3A_191, %dma_wait3A_192] : memref<512x128xf32, #tpu.memory_space<vmem>> -> memref<128x128xf32, #tpu.memory_space<vmem>>
    %dma_wait3A_194 = arith.constant 0 : i32
    %dma_wait3A_195 = tpu.memref_slice %arg8[%dma_wait3A_190, %dma_wait3A_194] : memref<4x128xi32, #tpu.memory_space<vmem>> -> memref<1x128xi32, #tpu.memory_space<vmem>>
    %dma_wait3A_196 = tpu.memref_squeeze %dma_wait3A_195 : memref<1x128xi32, #tpu.memory_space<vmem>> -> memref<128xi32, #tpu.memory_space<vmem>>
    %dma_wait3A_197 = arith.constant 0 : i32
    %dma_wait3A_198 = arith.constant 0 : i32
    %dma_wait3A_199 = tpu.memref_slice %arg16[%dma_wait3A_197, %dma_wait3A_198] : memref<1024x128xf32, #tpu.memory_space<vmem_shared>> -> memref<1024x128xf32, #tpu.memory_space<vmem_shared>>
    tpu.wait_indirect_dma semaphore(%arg17 : memref<!tpu.dma_semaphore, #tpu.memory_space<semaphore_mem>>) src(%dma_wait3A_199 : memref<1024x128xf32, #tpu.memory_space<vmem_shared>>) dst(%dma_wait3A_193 : memref<128x128xf32, #tpu.memory_space<vmem>>)
    %jit3A_200 = arith.constant 2 : i32
    %div3A_201 = arith.divsi %add3A, %jit3A_200 : i32
    %sign3A_202 = arith.constant 0 : i32
    %sign3A_203 = arith.cmpi sgt, %add3A, %sign3A_202 : i32
    %sign3A_204 = arith.extui %sign3A_203 : i1 to i32
    %sign3A_205 = arith.constant 0 : i32
    %sign3A_206 = arith.cmpi slt, %add3A, %sign3A_205 : i32
    %sign3A_207 = arith.extui %sign3A_206 : i1 to i32
    %sign3A_208 = arith.subi %sign3A_204, %sign3A_207 : i32
    %sign3A_209 = arith.constant 0 : i32
    %sign3A_210 = arith.cmpi sgt, %jit3A_200, %sign3A_209 : i32
    %sign3A_211 = arith.extui %sign3A_210 : i1 to i32
    %sign3A_212 = arith.constant 0 : i32
    %sign3A_213 = arith.cmpi slt, %jit3A_200, %sign3A_212 : i32
    %sign3A_214 = arith.extui %sign3A_213 : i1 to i32
    %sign3A_215 = arith.subi %sign3A_211, %sign3A_214 : i32
    %ne3A_216 = arith.cmpi ne, %sign3A_208, %sign3A_215 : i32
    %rem3A_217 = arith.remsi %add3A, %jit3A_200 : i32
    %ne3A_218 = arith.constant 0 : i32
    %ne3A_219 = arith.cmpi ne, %rem3A_217, %ne3A_218 : i32
    %and3A_220 = arith.andi %ne3A_216, %ne3A_219 : i1
    %sub3A_221 = arith.constant 1 : i32
    %sub3A_222 = arith.subi %div3A_201, %sub3A_221 : i32
    %select_n3A_223 = arith.select %and3A_220, %sub3A_222, %div3A_201 : i32
    %jit3A_224 = arith.constant 2 : i32
    %eq3A_225 = arith.constant 0 : i32
    %eq3A_226 = arith.cmpi eq, %jit3A_224, %eq3A_225 : i32
    %jit3A_227 = arith.constant 1 : i32
    %select_n3A_228 = arith.select %eq3A_226, %jit3A_227, %jit3A_224 : i32
    %rem3A_229 = arith.remsi %add3A, %select_n3A_228 : i32
    %ne3A_230 = arith.constant 0 : i32
    %ne3A_231 = arith.cmpi ne, %rem3A_229, %ne3A_230 : i32
    %lt3A_232 = arith.constant 0 : i32
    %lt3A_233 = arith.cmpi slt, %rem3A_229, %lt3A_232 : i32
    %lt3A_234 = arith.constant 0 : i32
    %lt3A_235 = arith.cmpi slt, %select_n3A_228, %lt3A_234 : i32
    %ne3A_236 = arith.xori %lt3A_233, %lt3A_235 : i1
    %and3A_237 = arith.andi %ne3A_236, %ne3A_231 : i1
    %add3A_238 = arith.addi %rem3A_229, %select_n3A_228 : i32
    %select_n3A_239 = arith.select %and3A_237, %add3A_238, %rem3A_229 : i32
    %mul3A_240 = arith.constant 512 : i32
    %mul3A_241 = arith.muli %select_n3A_239, %mul3A_240 : i32
    %add3A_242 = arith.constant 256 : i32
    %add3A_243 = arith.addi %mul3A_241, %add3A_242 : i32
    %dma_start3A_244 = arith.constant 256 : i32
    %dma_start3A_245 = arith.constant 0 : i32
    %dma_start3A_246 = tpu.memref_slice %arg9[%dma_start3A_244, %dma_start3A_245] : memref<512x128xf32, #tpu.memory_space<vmem>> -> memref<128x128xf32, #tpu.memory_space<vmem>>
    %dma_start3A_247 = arith.constant 0 : i32
    %dma_start3A_248 = tpu.memref_slice %arg6[%select_n3A_223, %add3A_243, %dma_start3A_247] : memref<16x1024x128xf32, #tpu.memory_space<hbm>> -> memref<1x128x128xf32, #tpu.memory_space<hbm>>
    %dma_start3A_249 = tpu.memref_squeeze %dma_start3A_248 : memref<1x128x128xf32, #tpu.memory_space<hbm>> -> memref<128x128xf32, #tpu.memory_space<hbm>>
    %dma_start3A_250 = arith.constant 0 : i32
    %dma_start3A_251 = tpu.memref_slice %arg6[%select_n3A_223, %add3A_243, %dma_start3A_250] : memref<16x1024x128xf32, #tpu.memory_space<hbm>> -> memref<1x128x128xf32, #tpu.memory_space<hbm>>
    %dma_start3A_252 = tpu.memref_squeeze %dma_start3A_251 : memref<1x128x128xf32, #tpu.memory_space<hbm>> -> memref<128x128xf32, #tpu.memory_space<hbm>>
    %dma_start3A_253 = arith.constant 256 : i32
    %dma_start3A_254 = arith.constant 0 : i32
    %dma_start3A_255 = tpu.memref_slice %arg9[%dma_start3A_253, %dma_start3A_254] : memref<512x128xf32, #tpu.memory_space<vmem>> -> memref<128x128xf32, #tpu.memory_space<vmem>>
    tpu.enqueue_dma source(%dma_start3A_255 : memref<128x128xf32, #tpu.memory_space<vmem>>) target(%dma_start3A_252 : memref<128x128xf32, #tpu.memory_space<hbm>>) target_semaphore(%arg18 : memref<!tpu.dma_semaphore, #tpu.memory_space<semaphore_mem>>)
    %dma_wait3A_256 = arith.constant 3 : i32
    %dma_wait3A_257 = arith.constant 384 : i32
    %dma_wait3A_258 = arith.constant 0 : i32
    %dma_wait3A_259 = tpu.memref_slice %arg9[%dma_wait3A_257, %dma_wait3A_258] : memref<512x128xf32, #tpu.memory_space<vmem>> -> memref<128x128xf32, #tpu.memory_space<vmem>>
    %dma_wait3A_260 = arith.constant 0 : i32
    %dma_wait3A_261 = tpu.memref_slice %arg8[%dma_wait3A_256, %dma_wait3A_260] : memref<4x128xi32, #tpu.memory_space<vmem>> -> memref<1x128xi32, #tpu.memory_space<vmem>>
    %dma_wait3A_262 = tpu.memref_squeeze %dma_wait3A_261 : memref<1x128xi32, #tpu.memory_space<vmem>> -> memref<128xi32, #tpu.memory_space<vmem>>
    %dma_wait3A_263 = arith.constant 0 : i32
    %dma_wait3A_264 = arith.constant 0 : i32
    %dma_wait3A_265 = tpu.memref_slice %arg16[%dma_wait3A_263, %dma_wait3A_264] : memref<1024x128xf32, #tpu.memory_space<vmem_shared>> -> memref<1024x128xf32, #tpu.memory_space<vmem_shared>>
    tpu.wait_indirect_dma semaphore(%arg17 : memref<!tpu.dma_semaphore, #tpu.memory_space<semaphore_mem>>) src(%dma_wait3A_265 : memref<1024x128xf32, #tpu.memory_space<vmem_shared>>) dst(%dma_wait3A_259 : memref<128x128xf32, #tpu.memory_space<vmem>>)
    %jit3A_266 = arith.constant 2 : i32
    %div3A_267 = arith.divsi %add3A, %jit3A_266 : i32
    %sign3A_268 = arith.constant 0 : i32
    %sign3A_269 = arith.cmpi sgt, %add3A, %sign3A_268 : i32
    %sign3A_270 = arith.extui %sign3A_269 : i1 to i32
    %sign3A_271 = arith.constant 0 : i32
    %sign3A_272 = arith.cmpi slt, %add3A, %sign3A_271 : i32
    %sign3A_273 = arith.extui %sign3A_272 : i1 to i32
    %sign3A_274 = arith.subi %sign3A_270, %sign3A_273 : i32
    %sign3A_275 = arith.constant 0 : i32
    %sign3A_276 = arith.cmpi sgt, %jit3A_266, %sign3A_275 : i32
    %sign3A_277 = arith.extui %sign3A_276 : i1 to i32
    %sign3A_278 = arith.constant 0 : i32
    %sign3A_279 = arith.cmpi slt, %jit3A_266, %sign3A_278 : i32
    %sign3A_280 = arith.extui %sign3A_279 : i1 to i32
    %sign3A_281 = arith.subi %sign3A_277, %sign3A_280 : i32
    %ne3A_282 = arith.cmpi ne, %sign3A_274, %sign3A_281 : i32
    %rem3A_283 = arith.remsi %add3A, %jit3A_266 : i32
    %ne3A_284 = arith.constant 0 : i32
    %ne3A_285 = arith.cmpi ne, %rem3A_283, %ne3A_284 : i32
    %and3A_286 = arith.andi %ne3A_282, %ne3A_285 : i1
    %sub3A_287 = arith.constant 1 : i32
    %sub3A_288 = arith.subi %div3A_267, %sub3A_287 : i32
    %select_n3A_289 = arith.select %and3A_286, %sub3A_288, %div3A_267 : i32
    %jit3A_290 = arith.constant 2 : i32
    %eq3A_291 = arith.constant 0 : i32
    %eq3A_292 = arith.cmpi eq, %jit3A_290, %eq3A_291 : i32
    %jit3A_293 = arith.constant 1 : i32
    %select_n3A_294 = arith.select %eq3A_292, %jit3A_293, %jit3A_290 : i32
    %rem3A_295 = arith.remsi %add3A, %select_n3A_294 : i32
    %ne3A_296 = arith.constant 0 : i32
    %ne3A_297 = arith.cmpi ne, %rem3A_295, %ne3A_296 : i32
    %lt3A_298 = arith.constant 0 : i32
    %lt3A_299 = arith.cmpi slt, %rem3A_295, %lt3A_298 : i32
    %lt3A_300 = arith.constant 0 : i32
    %lt3A_301 = arith.cmpi slt, %select_n3A_294, %lt3A_300 : i32
    %ne3A_302 = arith.xori %lt3A_299, %lt3A_301 : i1
    %and3A_303 = arith.andi %ne3A_302, %ne3A_297 : i1
    %add3A_304 = arith.addi %rem3A_295, %select_n3A_294 : i32
    %select_n3A_305 = arith.select %and3A_303, %add3A_304, %rem3A_295 : i32
    %mul3A_306 = arith.constant 512 : i32
    %mul3A_307 = arith.muli %select_n3A_305, %mul3A_306 : i32
    %add3A_308 = arith.constant 384 : i32
    %add3A_309 = arith.addi %mul3A_307, %add3A_308 : i32
    %dma_start3A_310 = arith.constant 384 : i32
    %dma_start3A_311 = arith.constant 0 : i32
    %dma_start3A_312 = tpu.memref_slice %arg9[%dma_start3A_310, %dma_start3A_311] : memref<512x128xf32, #tpu.memory_space<vmem>> -> memref<128x128xf32, #tpu.memory_space<vmem>>
    %dma_start3A_313 = arith.constant 0 : i32
    %dma_start3A_314 = tpu.memref_slice %arg6[%select_n3A_289, %add3A_309, %dma_start3A_313] : memref<16x1024x128xf32, #tpu.memory_space<hbm>> -> memref<1x128x128xf32, #tpu.memory_space<hbm>>
    %dma_start3A_315 = tpu.memref_squeeze %dma_start3A_314 : memref<1x128x128xf32, #tpu.memory_space<hbm>> -> memref<128x128xf32, #tpu.memory_space<hbm>>
    %dma_start3A_316 = arith.constant 0 : i32
    %dma_start3A_317 = tpu.memref_slice %arg6[%select_n3A_289, %add3A_309, %dma_start3A_316] : memref<16x1024x128xf32, #tpu.memory_space<hbm>> -> memref<1x128x128xf32, #tpu.memory_space<hbm>>
    %dma_start3A_318 = tpu.memref_squeeze %dma_start3A_317 : memref<1x128x128xf32, #tpu.memory_space<hbm>> -> memref<128x128xf32, #tpu.memory_space<hbm>>
    %dma_start3A_319 = arith.constant 384 : i32
    %dma_start3A_320 = arith.constant 0 : i32
    %dma_start3A_321 = tpu.memref_slice %arg9[%dma_start3A_319, %dma_start3A_320] : memref<512x128xf32, #tpu.memory_space<vmem>> -> memref<128x128xf32, #tpu.memory_space<vmem>>
    tpu.enqueue_dma source(%dma_start3A_321 : memref<128x128xf32, #tpu.memory_space<vmem>>) target(%dma_start3A_318 : memref<128x128xf32, #tpu.memory_space<hbm>>) target_semaphore(%arg18 : memref<!tpu.dma_semaphore, #tpu.memory_space<semaphore_mem>>)
    %dma_wait3A_322 = arith.constant 0 : i32
    %dma_wait3A_323 = arith.constant 0 : i32
    %dma_wait3A_324 = tpu.memref_slice %arg9[%dma_wait3A_322, %dma_wait3A_323] : memref<512x128xf32, #tpu.memory_space<vmem>> -> memref<128x128xf32, #tpu.memory_space<vmem>>
    %dma_wait3A_325 = arith.constant 0 : i32
    %dma_wait3A_326 = tpu.memref_slice %arg6[%select_n3A, %add3A_111, %dma_wait3A_325] : memref<16x1024x128xf32, #tpu.memory_space<hbm>> -> memref<1x128x128xf32, #tpu.memory_space<hbm>>
    %dma_wait3A_327 = tpu.memref_squeeze %dma_wait3A_326 : memref<1x128x128xf32, #tpu.memory_space<hbm>> -> memref<128x128xf32, #tpu.memory_space<hbm>>
    %dma_wait3A_328 = arith.constant 0 : i32
    %dma_wait3A_329 = tpu.memref_slice %arg6[%select_n3A, %add3A_111, %dma_wait3A_328] : memref<16x1024x128xf32, #tpu.memory_space<hbm>> -> memref<1x128x128xf32, #tpu.memory_space<hbm>>
    %dma_wait3A_330 = tpu.memref_squeeze %dma_wait3A_329 : memref<1x128x128xf32, #tpu.memory_space<hbm>> -> memref<128x128xf32, #tpu.memory_space<hbm>>
    %dma_wait3A_331 = arith.constant 0 : i32
    %dma_wait3A_332 = arith.constant 0 : i32
    %dma_wait3A_333 = tpu.memref_slice %arg9[%dma_wait3A_331, %dma_wait3A_332] : memref<512x128xf32, #tpu.memory_space<vmem>> -> memref<128x128xf32, #tpu.memory_space<vmem>>
    tpu.wait_dma2 semaphore(%arg18 : memref<!tpu.dma_semaphore, #tpu.memory_space<semaphore_mem>>) src(%dma_wait3A_333 : memref<128x128xf32, #tpu.memory_space<vmem>>) dst(%dma_wait3A_330 : memref<128x128xf32, #tpu.memory_space<hbm>>)
    %dma_wait3A_334 = arith.constant 128 : i32
    %dma_wait3A_335 = arith.constant 0 : i32
    %dma_wait3A_336 = tpu.memref_slice %arg9[%dma_wait3A_334, %dma_wait3A_335] : memref<512x128xf32, #tpu.memory_space<vmem>> -> memref<128x128xf32, #tpu.memory_space<vmem>>
    %dma_wait3A_337 = arith.constant 0 : i32
    %dma_wait3A_338 = tpu.memref_slice %arg6[%select_n3A_157, %add3A_177, %dma_wait3A_337] : memref<16x1024x128xf32, #tpu.memory_space<hbm>> -> memref<1x128x128xf32, #tpu.memory_space<hbm>>
    %dma_wait3A_339 = tpu.memref_squeeze %dma_wait3A_338 : memref<1x128x128xf32, #tpu.memory_space<hbm>> -> memref<128x128xf32, #tpu.memory_space<hbm>>
    %dma_wait3A_340 = arith.constant 0 : i32
    %dma_wait3A_341 = tpu.memref_slice %arg6[%select_n3A_157, %add3A_177, %dma_wait3A_340] : memref<16x1024x128xf32, #tpu.memory_space<hbm>> -> memref<1x128x128xf32, #tpu.memory_space<hbm>>
    %dma_wait3A_342 = tpu.memref_squeeze %dma_wait3A_341 : memref<1x128x128xf32, #tpu.memory_space<hbm>> -> memref<128x128xf32, #tpu.memory_space<hbm>>
    %dma_wait3A_343 = arith.constant 128 : i32
    %dma_wait3A_344 = arith.constant 0 : i32
    %dma_wait3A_345 = tpu.memref_slice %arg9[%dma_wait3A_343, %dma_wait3A_344] : memref<512x128xf32, #tpu.memory_space<vmem>> -> memref<128x128xf32, #tpu.memory_space<vmem>>
    tpu.wait_dma2 semaphore(%arg18 : memref<!tpu.dma_semaphore, #tpu.memory_space<semaphore_mem>>) src(%dma_wait3A_345 : memref<128x128xf32, #tpu.memory_space<vmem>>) dst(%dma_wait3A_342 : memref<128x128xf32, #tpu.memory_space<hbm>>)
    %dma_wait3A_346 = arith.constant 256 : i32
    %dma_wait3A_347 = arith.constant 0 : i32
    %dma_wait3A_348 = tpu.memref_slice %arg9[%dma_wait3A_346, %dma_wait3A_347] : memref<512x128xf32, #tpu.memory_space<vmem>> -> memref<128x128xf32, #tpu.memory_space<vmem>>
    %dma_wait3A_349 = arith.constant 0 : i32
    %dma_wait3A_350 = tpu.memref_slice %arg6[%select_n3A_223, %add3A_243, %dma_wait3A_349] : memref<16x1024x128xf32, #tpu.memory_space<hbm>> -> memref<1x128x128xf32, #tpu.memory_space<hbm>>
    %dma_wait3A_351 = tpu.memref_squeeze %dma_wait3A_350 : memref<1x128x128xf32, #tpu.memory_space<hbm>> -> memref<128x128xf32, #tpu.memory_space<hbm>>
    %dma_wait3A_352 = arith.constant 0 : i32
    %dma_wait3A_353 = tpu.memref_slice %arg6[%select_n3A_223, %add3A_243, %dma_wait3A_352] : memref<16x1024x128xf32, #tpu.memory_space<hbm>> -> memref<1x128x128xf32, #tpu.memory_space<hbm>>
    %dma_wait3A_354 = tpu.memref_squeeze %dma_wait3A_353 : memref<1x128x128xf32, #tpu.memory_space<hbm>> -> memref<128x128xf32, #tpu.memory_space<hbm>>
    %dma_wait3A_355 = arith.constant 256 : i32
    %dma_wait3A_356 = arith.constant 0 : i32
    %dma_wait3A_357 = tpu.memref_slice %arg9[%dma_wait3A_355, %dma_wait3A_356] : memref<512x128xf32, #tpu.memory_space<vmem>> -> memref<128x128xf32, #tpu.memory_space<vmem>>
    tpu.wait_dma2 semaphore(%arg18 : memref<!tpu.dma_semaphore, #tpu.memory_space<semaphore_mem>>) src(%dma_wait3A_357 : memref<128x128xf32, #tpu.memory_space<vmem>>) dst(%dma_wait3A_354 : memref<128x128xf32, #tpu.memory_space<hbm>>)
    %dma_wait3A_358 = arith.constant 384 : i32
    %dma_wait3A_359 = arith.constant 0 : i32
    %dma_wait3A_360 = tpu.memref_slice %arg9[%dma_wait3A_358, %dma_wait3A_359] : memref<512x128xf32, #tpu.memory_space<vmem>> -> memref<128x128xf32, #tpu.memory_space<vmem>>
    %dma_wait3A_361 = arith.constant 0 : i32
    %dma_wait3A_362 = tpu.memref_slice %arg6[%select_n3A_289, %add3A_309, %dma_wait3A_361] : memref<16x1024x128xf32, #tpu.memory_space<hbm>> -> memref<1x128x128xf32, #tpu.memory_space<hbm>>
    %dma_wait3A_363 = tpu.memref_squeeze %dma_wait3A_362 : memref<1x128x128xf32, #tpu.memory_space<hbm>> -> memref<128x128xf32, #tpu.memory_space<hbm>>
    %dma_wait3A_364 = arith.constant 0 : i32
    %dma_wait3A_365 = tpu.memref_slice %arg6[%select_n3A_289, %add3A_309, %dma_wait3A_364] : memref<16x1024x128xf32, #tpu.memory_space<hbm>> -> memref<1x128x128xf32, #tpu.memory_space<hbm>>
    %dma_wait3A_366 = tpu.memref_squeeze %dma_wait3A_365 : memref<1x128x128xf32, #tpu.memory_space<hbm>> -> memref<128x128xf32, #tpu.memory_space<hbm>>
    %dma_wait3A_367 = arith.constant 384 : i32
    %dma_wait3A_368 = arith.constant 0 : i32
    %dma_wait3A_369 = tpu.memref_slice %arg9[%dma_wait3A_367, %dma_wait3A_368] : memref<512x128xf32, #tpu.memory_space<vmem>> -> memref<128x128xf32, #tpu.memory_space<vmem>>
    tpu.wait_dma2 semaphore(%arg18 : memref<!tpu.dma_semaphore, #tpu.memory_space<semaphore_mem>>) src(%dma_wait3A_369 : memref<128x128xf32, #tpu.memory_space<vmem>>) dst(%dma_wait3A_366 : memref<128x128xf32, #tpu.memory_space<hbm>>)
    return
  }
}

#map = affine_map<(d0, d1) -> (0, 0, 0)>
#map1 = affine_map<(d0, d1) -> (0, 0)>
module attributes {stable_mosaic.version = 14 : i64} {
  func.func @_scatter_body(%arg0: i32, %arg1: i32, %arg2: memref<16x1024x128xf32, #tpu.memory_space<hbm>>, %arg3: memref<32x4x128xi32, #tpu.memory_space<hbm>>, %arg4: memref<1024x128xf32, #tpu.memory_space<hbm>>, %arg5: memref<1024x128xf32, #tpu.memory_space<hbm>>, %arg6: memref<1024x16xf32, #tpu.memory_space<hbm>>, %arg7: memref<2x1024x128xf32, #tpu.memory_space<hbm>>, %arg8: memref<4x128xi32, #tpu.memory_space<vmem>>, %arg9: memref<512x128xf32, #tpu.memory_space<vmem>>, %arg10: memref<64x128xf32, #tpu.memory_space<vmem>>, %arg11: memref<64x16xf32, #tpu.memory_space<vmem>>, %arg12: memref<1024x128xf32, #tpu.memory_space<vmem_shared>>, %arg13: memref<!tpu.dma_semaphore, #tpu.memory_space<semaphore_mem>>, %arg14: memref<!tpu.dma_semaphore, #tpu.memory_space<semaphore_mem>>) attributes {dimension_semantics = [#tpu.dimension_semantics<core_parallel>, #tpu.dimension_semantics<subcore_parallel>], iteration_bounds = array<i64: 2, 16>, scalar_prefetch = 0 : i64, scratch_operands = 7 : i64, tpu.core_type = #tpu.core_type<sc_vector_subcore>, window_params = [{transform_indices = #map}, {transform_indices = #map}, {transform_indices = #map1}, {transform_indices = #map1}, {transform_indices = #map1}, {transform_indices = #map}]} {
    %mul3A = arith.constant 2 : i32
    %mul3A_0 = arith.muli %arg1, %mul3A : i32
    %add3A = arith.addi %mul3A_0, %arg0 : i32
    %mul3A_1 = arith.constant 64 : i32
    %mul3A_2 = arith.muli %arg1, %mul3A_1 : i32
    %jit3A = arith.constant 2 : i32
    %div3A = arith.divsi %add3A, %jit3A : i32
    %sign3A = arith.constant 0 : i32
    %sign3A_3 = arith.cmpi sgt, %add3A, %sign3A : i32
    %sign3A_4 = arith.extui %sign3A_3 : i1 to i32
    %sign3A_5 = arith.constant 0 : i32
    %sign3A_6 = arith.cmpi slt, %add3A, %sign3A_5 : i32
    %sign3A_7 = arith.extui %sign3A_6 : i1 to i32
    %sign3A_8 = arith.subi %sign3A_4, %sign3A_7 : i32
    %sign3A_9 = arith.constant 0 : i32
    %sign3A_10 = arith.cmpi sgt, %jit3A, %sign3A_9 : i32
    %sign3A_11 = arith.extui %sign3A_10 : i1 to i32
    %sign3A_12 = arith.constant 0 : i32
    %sign3A_13 = arith.cmpi slt, %jit3A, %sign3A_12 : i32
    %sign3A_14 = arith.extui %sign3A_13 : i1 to i32
    %sign3A_15 = arith.subi %sign3A_11, %sign3A_14 : i32
    %ne3A = arith.cmpi ne, %sign3A_8, %sign3A_15 : i32
    %rem3A = arith.remsi %add3A, %jit3A : i32
    %ne3A_16 = arith.constant 0 : i32
    %ne3A_17 = arith.cmpi ne, %rem3A, %ne3A_16 : i32
    %and3A = arith.andi %ne3A, %ne3A_17 : i1
    %sub3A = arith.constant 1 : i32
    %sub3A_18 = arith.subi %div3A, %sub3A : i32
    %select_n3A = arith.select %and3A, %sub3A_18, %div3A : i32
    %jit3A_19 = arith.constant 2 : i32
    %eq3A = arith.constant 0 : i32
    %eq3A_20 = arith.cmpi eq, %jit3A_19, %eq3A : i32
    %jit3A_21 = arith.constant 1 : i32
    %select_n3A_22 = arith.select %eq3A_20, %jit3A_21, %jit3A_19 : i32
    %rem3A_23 = arith.remsi %add3A, %select_n3A_22 : i32
    %ne3A_24 = arith.constant 0 : i32
    %ne3A_25 = arith.cmpi ne, %rem3A_23, %ne3A_24 : i32
    %lt3A = arith.constant 0 : i32
    %lt3A_26 = arith.cmpi slt, %rem3A_23, %lt3A : i32
    %lt3A_27 = arith.constant 0 : i32
    %lt3A_28 = arith.cmpi slt, %select_n3A_22, %lt3A_27 : i32
    %ne3A_29 = arith.xori %lt3A_26, %lt3A_28 : i1
    %and3A_30 = arith.andi %ne3A_29, %ne3A_25 : i1
    %add3A_31 = arith.addi %rem3A_23, %select_n3A_22 : i32
    %select_n3A_32 = arith.select %and3A_30, %add3A_31, %rem3A_23 : i32
    %mul3A_33 = arith.constant 512 : i32
    %mul3A_34 = arith.muli %select_n3A_32, %mul3A_33 : i32
    %add3A_35 = arith.constant 0 : i32
    %add3A_36 = arith.addi %mul3A_34, %add3A_35 : i32
    %dma_start3A = arith.constant 0 : i32
    %dma_start3A_37 = arith.constant 0 : i32
    %dma_start3A_38 = tpu.memref_slice %arg9[%dma_start3A, %dma_start3A_37] : memref<512x128xf32, #tpu.memory_space<vmem>> -> memref<128x128xf32, #tpu.memory_space<vmem>>
    %dma_start3A_39 = arith.constant 0 : i32
    %dma_start3A_40 = tpu.memref_slice %arg2[%select_n3A, %add3A_36, %dma_start3A_39] : memref<16x1024x128xf32, #tpu.memory_space<hbm>> -> memref<1x128x128xf32, #tpu.memory_space<hbm>>
    %dma_start3A_41 = tpu.memref_squeeze %dma_start3A_40 : memref<1x128x128xf32, #tpu.memory_space<hbm>> -> memref<128x128xf32, #tpu.memory_space<hbm>>
    %dma_start3A_42 = arith.constant 0 : i32
    %dma_start3A_43 = arith.constant 0 : i32
    %dma_start3A_44 = tpu.memref_slice %arg9[%dma_start3A_42, %dma_start3A_43] : memref<512x128xf32, #tpu.memory_space<vmem>> -> memref<128x128xf32, #tpu.memory_space<vmem>>
    %dma_start3A_45 = arith.constant 0 : i32
    %dma_start3A_46 = tpu.memref_slice %arg2[%select_n3A, %add3A_36, %dma_start3A_45] : memref<16x1024x128xf32, #tpu.memory_space<hbm>> -> memref<1x128x128xf32, #tpu.memory_space<hbm>>
    %dma_start3A_47 = tpu.memref_squeeze %dma_start3A_46 : memref<1x128x128xf32, #tpu.memory_space<hbm>> -> memref<128x128xf32, #tpu.memory_space<hbm>>
    tpu.enqueue_dma source(%dma_start3A_47 : memref<128x128xf32, #tpu.memory_space<hbm>>) target(%dma_start3A_44 : memref<128x128xf32, #tpu.memory_space<vmem>>) target_semaphore(%arg14 : memref<!tpu.dma_semaphore, #tpu.memory_space<semaphore_mem>>)
    %jit3A_48 = arith.constant 2 : i32
    %div3A_49 = arith.divsi %add3A, %jit3A_48 : i32
    %sign3A_50 = arith.constant 0 : i32
    %sign3A_51 = arith.cmpi sgt, %add3A, %sign3A_50 : i32
    %sign3A_52 = arith.extui %sign3A_51 : i1 to i32
    %sign3A_53 = arith.constant 0 : i32
    %sign3A_54 = arith.cmpi slt, %add3A, %sign3A_53 : i32
    %sign3A_55 = arith.extui %sign3A_54 : i1 to i32
    %sign3A_56 = arith.subi %sign3A_52, %sign3A_55 : i32
    %sign3A_57 = arith.constant 0 : i32
    %sign3A_58 = arith.cmpi sgt, %jit3A_48, %sign3A_57 : i32
    %sign3A_59 = arith.extui %sign3A_58 : i1 to i32
    %sign3A_60 = arith.constant 0 : i32
    %sign3A_61 = arith.cmpi slt, %jit3A_48, %sign3A_60 : i32
    %sign3A_62 = arith.extui %sign3A_61 : i1 to i32
    %sign3A_63 = arith.subi %sign3A_59, %sign3A_62 : i32
    %ne3A_64 = arith.cmpi ne, %sign3A_56, %sign3A_63 : i32
    %rem3A_65 = arith.remsi %add3A, %jit3A_48 : i32
    %ne3A_66 = arith.constant 0 : i32
    %ne3A_67 = arith.cmpi ne, %rem3A_65, %ne3A_66 : i32
    %and3A_68 = arith.andi %ne3A_64, %ne3A_67 : i1
    %sub3A_69 = arith.constant 1 : i32
    %sub3A_70 = arith.subi %div3A_49, %sub3A_69 : i32
    %select_n3A_71 = arith.select %and3A_68, %sub3A_70, %div3A_49 : i32
    %jit3A_72 = arith.constant 2 : i32
    %eq3A_73 = arith.constant 0 : i32
    %eq3A_74 = arith.cmpi eq, %jit3A_72, %eq3A_73 : i32
    %jit3A_75 = arith.constant 1 : i32
    %select_n3A_76 = arith.select %eq3A_74, %jit3A_75, %jit3A_72 : i32
    %rem3A_77 = arith.remsi %add3A, %select_n3A_76 : i32
    %ne3A_78 = arith.constant 0 : i32
    %ne3A_79 = arith.cmpi ne, %rem3A_77, %ne3A_78 : i32
    %lt3A_80 = arith.constant 0 : i32
    %lt3A_81 = arith.cmpi slt, %rem3A_77, %lt3A_80 : i32
    %lt3A_82 = arith.constant 0 : i32
    %lt3A_83 = arith.cmpi slt, %select_n3A_76, %lt3A_82 : i32
    %ne3A_84 = arith.xori %lt3A_81, %lt3A_83 : i1
    %and3A_85 = arith.andi %ne3A_84, %ne3A_79 : i1
    %add3A_86 = arith.addi %rem3A_77, %select_n3A_76 : i32
    %select_n3A_87 = arith.select %and3A_85, %add3A_86, %rem3A_77 : i32
    %mul3A_88 = arith.constant 512 : i32
    %mul3A_89 = arith.muli %select_n3A_87, %mul3A_88 : i32
    %add3A_90 = arith.constant 128 : i32
    %add3A_91 = arith.addi %mul3A_89, %add3A_90 : i32
    %dma_start3A_92 = arith.constant 128 : i32
    %dma_start3A_93 = arith.constant 0 : i32
    %dma_start3A_94 = tpu.memref_slice %arg9[%dma_start3A_92, %dma_start3A_93] : memref<512x128xf32, #tpu.memory_space<vmem>> -> memref<128x128xf32, #tpu.memory_space<vmem>>
    %dma_start3A_95 = arith.constant 0 : i32
    %dma_start3A_96 = tpu.memref_slice %arg2[%select_n3A_71, %add3A_91, %dma_start3A_95] : memref<16x1024x128xf32, #tpu.memory_space<hbm>> -> memref<1x128x128xf32, #tpu.memory_space<hbm>>
    %dma_start3A_97 = tpu.memref_squeeze %dma_start3A_96 : memref<1x128x128xf32, #tpu.memory_space<hbm>> -> memref<128x128xf32, #tpu.memory_space<hbm>>
    %dma_start3A_98 = arith.constant 128 : i32
    %dma_start3A_99 = arith.constant 0 : i32
    %dma_start3A_100 = tpu.memref_slice %arg9[%dma_start3A_98, %dma_start3A_99] : memref<512x128xf32, #tpu.memory_space<vmem>> -> memref<128x128xf32, #tpu.memory_space<vmem>>
    %dma_start3A_101 = arith.constant 0 : i32
    %dma_start3A_102 = tpu.memref_slice %arg2[%select_n3A_71, %add3A_91, %dma_start3A_101] : memref<16x1024x128xf32, #tpu.memory_space<hbm>> -> memref<1x128x128xf32, #tpu.memory_space<hbm>>
    %dma_start3A_103 = tpu.memref_squeeze %dma_start3A_102 : memref<1x128x128xf32, #tpu.memory_space<hbm>> -> memref<128x128xf32, #tpu.memory_space<hbm>>
    tpu.enqueue_dma source(%dma_start3A_103 : memref<128x128xf32, #tpu.memory_space<hbm>>) target(%dma_start3A_100 : memref<128x128xf32, #tpu.memory_space<vmem>>) target_semaphore(%arg14 : memref<!tpu.dma_semaphore, #tpu.memory_space<semaphore_mem>>)
    %jit3A_104 = arith.constant 2 : i32
    %div3A_105 = arith.divsi %add3A, %jit3A_104 : i32
    %sign3A_106 = arith.constant 0 : i32
    %sign3A_107 = arith.cmpi sgt, %add3A, %sign3A_106 : i32
    %sign3A_108 = arith.extui %sign3A_107 : i1 to i32
    %sign3A_109 = arith.constant 0 : i32
    %sign3A_110 = arith.cmpi slt, %add3A, %sign3A_109 : i32
    %sign3A_111 = arith.extui %sign3A_110 : i1 to i32
    %sign3A_112 = arith.subi %sign3A_108, %sign3A_111 : i32
    %sign3A_113 = arith.constant 0 : i32
    %sign3A_114 = arith.cmpi sgt, %jit3A_104, %sign3A_113 : i32
    %sign3A_115 = arith.extui %sign3A_114 : i1 to i32
    %sign3A_116 = arith.constant 0 : i32
    %sign3A_117 = arith.cmpi slt, %jit3A_104, %sign3A_116 : i32
    %sign3A_118 = arith.extui %sign3A_117 : i1 to i32
    %sign3A_119 = arith.subi %sign3A_115, %sign3A_118 : i32
    %ne3A_120 = arith.cmpi ne, %sign3A_112, %sign3A_119 : i32
    %rem3A_121 = arith.remsi %add3A, %jit3A_104 : i32
    %ne3A_122 = arith.constant 0 : i32
    %ne3A_123 = arith.cmpi ne, %rem3A_121, %ne3A_122 : i32
    %and3A_124 = arith.andi %ne3A_120, %ne3A_123 : i1
    %sub3A_125 = arith.constant 1 : i32
    %sub3A_126 = arith.subi %div3A_105, %sub3A_125 : i32
    %select_n3A_127 = arith.select %and3A_124, %sub3A_126, %div3A_105 : i32
    %jit3A_128 = arith.constant 2 : i32
    %eq3A_129 = arith.constant 0 : i32
    %eq3A_130 = arith.cmpi eq, %jit3A_128, %eq3A_129 : i32
    %jit3A_131 = arith.constant 1 : i32
    %select_n3A_132 = arith.select %eq3A_130, %jit3A_131, %jit3A_128 : i32
    %rem3A_133 = arith.remsi %add3A, %select_n3A_132 : i32
    %ne3A_134 = arith.constant 0 : i32
    %ne3A_135 = arith.cmpi ne, %rem3A_133, %ne3A_134 : i32
    %lt3A_136 = arith.constant 0 : i32
    %lt3A_137 = arith.cmpi slt, %rem3A_133, %lt3A_136 : i32
    %lt3A_138 = arith.constant 0 : i32
    %lt3A_139 = arith.cmpi slt, %select_n3A_132, %lt3A_138 : i32
    %ne3A_140 = arith.xori %lt3A_137, %lt3A_139 : i1
    %and3A_141 = arith.andi %ne3A_140, %ne3A_135 : i1
    %add3A_142 = arith.addi %rem3A_133, %select_n3A_132 : i32
    %select_n3A_143 = arith.select %and3A_141, %add3A_142, %rem3A_133 : i32
    %mul3A_144 = arith.constant 512 : i32
    %mul3A_145 = arith.muli %select_n3A_143, %mul3A_144 : i32
    %add3A_146 = arith.constant 256 : i32
    %add3A_147 = arith.addi %mul3A_145, %add3A_146 : i32
    %dma_start3A_148 = arith.constant 256 : i32
    %dma_start3A_149 = arith.constant 0 : i32
    %dma_start3A_150 = tpu.memref_slice %arg9[%dma_start3A_148, %dma_start3A_149] : memref<512x128xf32, #tpu.memory_space<vmem>> -> memref<128x128xf32, #tpu.memory_space<vmem>>
    %dma_start3A_151 = arith.constant 0 : i32
    %dma_start3A_152 = tpu.memref_slice %arg2[%select_n3A_127, %add3A_147, %dma_start3A_151] : memref<16x1024x128xf32, #tpu.memory_space<hbm>> -> memref<1x128x128xf32, #tpu.memory_space<hbm>>
    %dma_start3A_153 = tpu.memref_squeeze %dma_start3A_152 : memref<1x128x128xf32, #tpu.memory_space<hbm>> -> memref<128x128xf32, #tpu.memory_space<hbm>>
    %dma_start3A_154 = arith.constant 256 : i32
    %dma_start3A_155 = arith.constant 0 : i32
    %dma_start3A_156 = tpu.memref_slice %arg9[%dma_start3A_154, %dma_start3A_155] : memref<512x128xf32, #tpu.memory_space<vmem>> -> memref<128x128xf32, #tpu.memory_space<vmem>>
    %dma_start3A_157 = arith.constant 0 : i32
    %dma_start3A_158 = tpu.memref_slice %arg2[%select_n3A_127, %add3A_147, %dma_start3A_157] : memref<16x1024x128xf32, #tpu.memory_space<hbm>> -> memref<1x128x128xf32, #tpu.memory_space<hbm>>
    %dma_start3A_159 = tpu.memref_squeeze %dma_start3A_158 : memref<1x128x128xf32, #tpu.memory_space<hbm>> -> memref<128x128xf32, #tpu.memory_space<hbm>>
    tpu.enqueue_dma source(%dma_start3A_159 : memref<128x128xf32, #tpu.memory_space<hbm>>) target(%dma_start3A_156 : memref<128x128xf32, #tpu.memory_space<vmem>>) target_semaphore(%arg14 : memref<!tpu.dma_semaphore, #tpu.memory_space<semaphore_mem>>)
    %jit3A_160 = arith.constant 2 : i32
    %div3A_161 = arith.divsi %add3A, %jit3A_160 : i32
    %sign3A_162 = arith.constant 0 : i32
    %sign3A_163 = arith.cmpi sgt, %add3A, %sign3A_162 : i32
    %sign3A_164 = arith.extui %sign3A_163 : i1 to i32
    %sign3A_165 = arith.constant 0 : i32
    %sign3A_166 = arith.cmpi slt, %add3A, %sign3A_165 : i32
    %sign3A_167 = arith.extui %sign3A_166 : i1 to i32
    %sign3A_168 = arith.subi %sign3A_164, %sign3A_167 : i32
    %sign3A_169 = arith.constant 0 : i32
    %sign3A_170 = arith.cmpi sgt, %jit3A_160, %sign3A_169 : i32
    %sign3A_171 = arith.extui %sign3A_170 : i1 to i32
    %sign3A_172 = arith.constant 0 : i32
    %sign3A_173 = arith.cmpi slt, %jit3A_160, %sign3A_172 : i32
    %sign3A_174 = arith.extui %sign3A_173 : i1 to i32
    %sign3A_175 = arith.subi %sign3A_171, %sign3A_174 : i32
    %ne3A_176 = arith.cmpi ne, %sign3A_168, %sign3A_175 : i32
    %rem3A_177 = arith.remsi %add3A, %jit3A_160 : i32
    %ne3A_178 = arith.constant 0 : i32
    %ne3A_179 = arith.cmpi ne, %rem3A_177, %ne3A_178 : i32
    %and3A_180 = arith.andi %ne3A_176, %ne3A_179 : i1
    %sub3A_181 = arith.constant 1 : i32
    %sub3A_182 = arith.subi %div3A_161, %sub3A_181 : i32
    %select_n3A_183 = arith.select %and3A_180, %sub3A_182, %div3A_161 : i32
    %jit3A_184 = arith.constant 2 : i32
    %eq3A_185 = arith.constant 0 : i32
    %eq3A_186 = arith.cmpi eq, %jit3A_184, %eq3A_185 : i32
    %jit3A_187 = arith.constant 1 : i32
    %select_n3A_188 = arith.select %eq3A_186, %jit3A_187, %jit3A_184 : i32
    %rem3A_189 = arith.remsi %add3A, %select_n3A_188 : i32
    %ne3A_190 = arith.constant 0 : i32
    %ne3A_191 = arith.cmpi ne, %rem3A_189, %ne3A_190 : i32
    %lt3A_192 = arith.constant 0 : i32
    %lt3A_193 = arith.cmpi slt, %rem3A_189, %lt3A_192 : i32
    %lt3A_194 = arith.constant 0 : i32
    %lt3A_195 = arith.cmpi slt, %select_n3A_188, %lt3A_194 : i32
    %ne3A_196 = arith.xori %lt3A_193, %lt3A_195 : i1
    %and3A_197 = arith.andi %ne3A_196, %ne3A_191 : i1
    %add3A_198 = arith.addi %rem3A_189, %select_n3A_188 : i32
    %select_n3A_199 = arith.select %and3A_197, %add3A_198, %rem3A_189 : i32
    %mul3A_200 = arith.constant 512 : i32
    %mul3A_201 = arith.muli %select_n3A_199, %mul3A_200 : i32
    %add3A_202 = arith.constant 384 : i32
    %add3A_203 = arith.addi %mul3A_201, %add3A_202 : i32
    %dma_start3A_204 = arith.constant 384 : i32
    %dma_start3A_205 = arith.constant 0 : i32
    %dma_start3A_206 = tpu.memref_slice %arg9[%dma_start3A_204, %dma_start3A_205] : memref<512x128xf32, #tpu.memory_space<vmem>> -> memref<128x128xf32, #tpu.memory_space<vmem>>
    %dma_start3A_207 = arith.constant 0 : i32
    %dma_start3A_208 = tpu.memref_slice %arg2[%select_n3A_183, %add3A_203, %dma_start3A_207] : memref<16x1024x128xf32, #tpu.memory_space<hbm>> -> memref<1x128x128xf32, #tpu.memory_space<hbm>>
    %dma_start3A_209 = tpu.memref_squeeze %dma_start3A_208 : memref<1x128x128xf32, #tpu.memory_space<hbm>> -> memref<128x128xf32, #tpu.memory_space<hbm>>
    %dma_start3A_210 = arith.constant 384 : i32
    %dma_start3A_211 = arith.constant 0 : i32
    %dma_start3A_212 = tpu.memref_slice %arg9[%dma_start3A_210, %dma_start3A_211] : memref<512x128xf32, #tpu.memory_space<vmem>> -> memref<128x128xf32, #tpu.memory_space<vmem>>
    %dma_start3A_213 = arith.constant 0 : i32
    %dma_start3A_214 = tpu.memref_slice %arg2[%select_n3A_183, %add3A_203, %dma_start3A_213] : memref<16x1024x128xf32, #tpu.memory_space<hbm>> -> memref<1x128x128xf32, #tpu.memory_space<hbm>>
    %dma_start3A_215 = tpu.memref_squeeze %dma_start3A_214 : memref<1x128x128xf32, #tpu.memory_space<hbm>> -> memref<128x128xf32, #tpu.memory_space<hbm>>
    tpu.enqueue_dma source(%dma_start3A_215 : memref<128x128xf32, #tpu.memory_space<hbm>>) target(%dma_start3A_212 : memref<128x128xf32, #tpu.memory_space<vmem>>) target_semaphore(%arg14 : memref<!tpu.dma_semaphore, #tpu.memory_space<semaphore_mem>>)
    "tpu.region"() ({
      %run_scoped3A = tpu.sem_alloc : memref<!tpu.dma_semaphore, #tpu.memory_space<semaphore_mem>>
      %dma_start3A_352 = arith.constant 0 : i32
      %dma_start3A_353 = arith.constant 0 : i32
      %dma_start3A_354 = tpu.memref_slice %arg3[%add3A, %dma_start3A_352, %dma_start3A_353] : memref<32x4x128xi32, #tpu.memory_space<hbm>> -> memref<1x4x128xi32, #tpu.memory_space<hbm>>
      %dma_start3A_355 = tpu.memref_squeeze %dma_start3A_354 : memref<1x4x128xi32, #tpu.memory_space<hbm>> -> memref<4x128xi32, #tpu.memory_space<hbm>>
      %dma_start3A_356 = arith.constant 0 : i32
      %dma_start3A_357 = arith.constant 0 : i32
      %dma_start3A_358 = tpu.memref_slice %arg3[%add3A, %dma_start3A_356, %dma_start3A_357] : memref<32x4x128xi32, #tpu.memory_space<hbm>> -> memref<1x4x128xi32, #tpu.memory_space<hbm>>
      %dma_start3A_359 = tpu.memref_squeeze %dma_start3A_358 : memref<1x4x128xi32, #tpu.memory_space<hbm>> -> memref<4x128xi32, #tpu.memory_space<hbm>>
      tpu.enqueue_dma source(%dma_start3A_359 : memref<4x128xi32, #tpu.memory_space<hbm>>) target(%arg8 : memref<4x128xi32, #tpu.memory_space<vmem>>) target_semaphore(%run_scoped3A : memref<!tpu.dma_semaphore, #tpu.memory_space<semaphore_mem>>)
      %dma_wait3A_360 = arith.constant 0 : i32
      %dma_wait3A_361 = arith.constant 0 : i32
      %dma_wait3A_362 = tpu.memref_slice %arg3[%add3A, %dma_wait3A_360, %dma_wait3A_361] : memref<32x4x128xi32, #tpu.memory_space<hbm>> -> memref<1x4x128xi32, #tpu.memory_space<hbm>>
      %dma_wait3A_363 = tpu.memref_squeeze %dma_wait3A_362 : memref<1x4x128xi32, #tpu.memory_space<hbm>> -> memref<4x128xi32, #tpu.memory_space<hbm>>
      %dma_wait3A_364 = arith.constant 0 : i32
      %dma_wait3A_365 = arith.constant 0 : i32
      %dma_wait3A_366 = tpu.memref_slice %arg3[%add3A, %dma_wait3A_364, %dma_wait3A_365] : memref<32x4x128xi32, #tpu.memory_space<hbm>> -> memref<1x4x128xi32, #tpu.memory_space<hbm>>
      %dma_wait3A_367 = tpu.memref_squeeze %dma_wait3A_366 : memref<1x4x128xi32, #tpu.memory_space<hbm>> -> memref<4x128xi32, #tpu.memory_space<hbm>>
      tpu.wait_dma2 semaphore(%run_scoped3A : memref<!tpu.dma_semaphore, #tpu.memory_space<semaphore_mem>>) src(%dma_wait3A_367 : memref<4x128xi32, #tpu.memory_space<hbm>>) dst(%arg8 : memref<4x128xi32, #tpu.memory_space<vmem>>)
      tpu.yield
    }) : () -> ()
    %eq3A_216 = arith.constant 0 : i32
    %eq3A_217 = arith.cmpi eq, %arg0, %eq3A_216 : i32
    %convert_element_type3A = arith.extui %eq3A_217 : i1 to i32
    %cond3A = arith.constant 0 : i32
    %cond3A_218 = arith.cmpi ne, %convert_element_type3A, %cond3A : i32
    scf.if %cond3A_218 {
      "tpu.region"() ({
        %run_scoped3A = tpu.sem_alloc : memref<!tpu.dma_semaphore, #tpu.memory_space<semaphore_mem>>
        %dma_start3A_357 = arith.constant 0 : i32
        %dma_start3A_358 = tpu.memref_slice %arg5[%mul3A_2, %dma_start3A_357] : memref<1024x128xf32, #tpu.memory_space<hbm>> -> memref<64x128xf32, #tpu.memory_space<hbm>>
        %dma_start3A_359 = arith.constant 0 : i32
        %dma_start3A_360 = tpu.memref_slice %arg5[%mul3A_2, %dma_start3A_359] : memref<1024x128xf32, #tpu.memory_space<hbm>> -> memref<64x128xf32, #tpu.memory_space<hbm>>
        tpu.enqueue_dma source(%dma_start3A_360 : memref<64x128xf32, #tpu.memory_space<hbm>>) target(%arg10 : memref<64x128xf32, #tpu.memory_space<vmem>>) target_semaphore(%run_scoped3A : memref<!tpu.dma_semaphore, #tpu.memory_space<semaphore_mem>>)
        %dma_wait3A_361 = arith.constant 0 : i32
        %dma_wait3A_362 = tpu.memref_slice %arg5[%mul3A_2, %dma_wait3A_361] : memref<1024x128xf32, #tpu.memory_space<hbm>> -> memref<64x128xf32, #tpu.memory_space<hbm>>
        %dma_wait3A_363 = arith.constant 0 : i32
        %dma_wait3A_364 = tpu.memref_slice %arg5[%mul3A_2, %dma_wait3A_363] : memref<1024x128xf32, #tpu.memory_space<hbm>> -> memref<64x128xf32, #tpu.memory_space<hbm>>
        tpu.wait_dma2 semaphore(%run_scoped3A : memref<!tpu.dma_semaphore, #tpu.memory_space<semaphore_mem>>) src(%dma_wait3A_364 : memref<64x128xf32, #tpu.memory_space<hbm>>) dst(%arg10 : memref<64x128xf32, #tpu.memory_space<vmem>>)
        tpu.yield
      }) : () -> ()
      "tpu.region"() ({
        %run_scoped3A = tpu.sem_alloc : memref<!tpu.dma_semaphore, #tpu.memory_space<semaphore_mem>>
        %dma_start3A_357 = arith.constant 0 : i32
        %dma_start3A_358 = tpu.memref_slice %arg6[%mul3A_2, %dma_start3A_357] : memref<1024x16xf32, #tpu.memory_space<hbm>> -> memref<64x16xf32, #tpu.memory_space<hbm>>
        %dma_start3A_359 = arith.constant 0 : i32
        %dma_start3A_360 = tpu.memref_slice %arg6[%mul3A_2, %dma_start3A_359] : memref<1024x16xf32, #tpu.memory_space<hbm>> -> memref<64x16xf32, #tpu.memory_space<hbm>>
        tpu.enqueue_dma source(%dma_start3A_360 : memref<64x16xf32, #tpu.memory_space<hbm>>) target(%arg11 : memref<64x16xf32, #tpu.memory_space<vmem>>) target_semaphore(%run_scoped3A : memref<!tpu.dma_semaphore, #tpu.memory_space<semaphore_mem>>)
        %dma_wait3A_361 = arith.constant 0 : i32
        %dma_wait3A_362 = tpu.memref_slice %arg6[%mul3A_2, %dma_wait3A_361] : memref<1024x16xf32, #tpu.memory_space<hbm>> -> memref<64x16xf32, #tpu.memory_space<hbm>>
        %dma_wait3A_363 = arith.constant 0 : i32
        %dma_wait3A_364 = tpu.memref_slice %arg6[%mul3A_2, %dma_wait3A_363] : memref<1024x16xf32, #tpu.memory_space<hbm>> -> memref<64x16xf32, #tpu.memory_space<hbm>>
        tpu.wait_dma2 semaphore(%run_scoped3A : memref<!tpu.dma_semaphore, #tpu.memory_space<semaphore_mem>>) src(%dma_wait3A_364 : memref<64x16xf32, #tpu.memory_space<hbm>>) dst(%arg11 : memref<64x16xf32, #tpu.memory_space<vmem>>)
        tpu.yield
      }) : () -> ()
      %scan3A = arith.constant 0 : i32
      %scan3A_352 = arith.constant 0 : i32
      %scan3A_353 = arith.constant 64 : i32
      %scan3A_354 = arith.addi %scan3A_352, %scan3A_353 : i32
      %scan3A_355 = arith.constant 1 : i32
      scf.for %scan3A_357 = %scan3A_352 to %scan3A_354 step %scan3A_355  : i32 {
        %get3A = arith.index_cast %scan3A_357 : i32 to index
        %get3A_358 = arith.constant 0 : index
        %get3A_359 = tpu.vector_load %arg10[%get3A, %get3A_358] {strides = array<i32>} : memref<64x128xf32, #tpu.memory_space<vmem>>, vector<1x16xf32>,
        %get3A_360 = vector.shape_cast %get3A_359 : vector<1x16xf32> to vector<16xf32>
        %mul3A_361 = arith.constant 9.900000e+01 : f32
        %mul3A_362 = vector.broadcast %mul3A_361 : f32 to vector<16xf32>
        %mul3A_363 = arith.mulf %get3A_360, %mul3A_362 : vector<16xf32>
        %swap3A = arith.index_cast %scan3A_357 : i32 to index
        %swap3A_364 = arith.constant 0 : index
        %swap3A_365 = tpu.vector_load %arg10[%swap3A, %swap3A_364] {strides = array<i32>} : memref<64x128xf32, #tpu.memory_space<vmem>>, vector<1x16xf32>,
        %swap3A_366 = vector.shape_cast %swap3A_365 : vector<1x16xf32> to vector<16xf32>
        %swap3A_367 = vector.shape_cast %mul3A_363 : vector<16xf32> to vector<1x16xf32>
        tpu.vector_store %arg10[%swap3A, %swap3A_364], %swap3A_367 {strides = array<i32>} : memref<64x128xf32, #tpu.memory_space<vmem>>, vector<1x16xf32>,
        %get3A_368 = arith.index_cast %scan3A_357 : i32 to index
        %get3A_369 = arith.constant 16 : index
        %get3A_370 = tpu.vector_load %arg10[%get3A_368, %get3A_369] {strides = array<i32>} : memref<64x128xf32, #tpu.memory_space<vmem>>, vector<1x16xf32>,
        %get3A_371 = vector.shape_cast %get3A_370 : vector<1x16xf32> to vector<16xf32>
        %mul3A_372 = arith.constant 9.900000e+01 : f32
        %mul3A_373 = vector.broadcast %mul3A_372 : f32 to vector<16xf32>
        %mul3A_374 = arith.mulf %get3A_371, %mul3A_373 : vector<16xf32>
        %swap3A_375 = arith.index_cast %scan3A_357 : i32 to index
        %swap3A_376 = arith.constant 16 : index
        %swap3A_377 = tpu.vector_load %arg10[%swap3A_375, %swap3A_376] {strides = array<i32>} : memref<64x128xf32, #tpu.memory_space<vmem>>, vector<1x16xf32>,
        %swap3A_378 = vector.shape_cast %swap3A_377 : vector<1x16xf32> to vector<16xf32>
        %swap3A_379 = vector.shape_cast %mul3A_374 : vector<16xf32> to vector<1x16xf32>
        tpu.vector_store %arg10[%swap3A_375, %swap3A_376], %swap3A_379 {strides = array<i32>} : memref<64x128xf32, #tpu.memory_space<vmem>>, vector<1x16xf32>,
        %get3A_380 = arith.index_cast %scan3A_357 : i32 to index
        %get3A_381 = arith.constant 32 : index
        %get3A_382 = tpu.vector_load %arg10[%get3A_380, %get3A_381] {strides = array<i32>} : memref<64x128xf32, #tpu.memory_space<vmem>>, vector<1x16xf32>,
        %get3A_383 = vector.shape_cast %get3A_382 : vector<1x16xf32> to vector<16xf32>
        %mul3A_384 = arith.constant 9.900000e+01 : f32
        %mul3A_385 = vector.broadcast %mul3A_384 : f32 to vector<16xf32>
        %mul3A_386 = arith.mulf %get3A_383, %mul3A_385 : vector<16xf32>
        %swap3A_387 = arith.index_cast %scan3A_357 : i32 to index
        %swap3A_388 = arith.constant 32 : index
        %swap3A_389 = tpu.vector_load %arg10[%swap3A_387, %swap3A_388] {strides = array<i32>} : memref<64x128xf32, #tpu.memory_space<vmem>>, vector<1x16xf32>,
        %swap3A_390 = vector.shape_cast %swap3A_389 : vector<1x16xf32> to vector<16xf32>
        %swap3A_391 = vector.shape_cast %mul3A_386 : vector<16xf32> to vector<1x16xf32>
        tpu.vector_store %arg10[%swap3A_387, %swap3A_388], %swap3A_391 {strides = array<i32>} : memref<64x128xf32, #tpu.memory_space<vmem>>, vector<1x16xf32>,
        %get3A_392 = arith.index_cast %scan3A_357 : i32 to index
        %get3A_393 = arith.constant 48 : index
        %get3A_394 = tpu.vector_load %arg10[%get3A_392, %get3A_393] {strides = array<i32>} : memref<64x128xf32, #tpu.memory_space<vmem>>, vector<1x16xf32>,
        %get3A_395 = vector.shape_cast %get3A_394 : vector<1x16xf32> to vector<16xf32>
        %mul3A_396 = arith.constant 9.900000e+01 : f32
        %mul3A_397 = vector.broadcast %mul3A_396 : f32 to vector<16xf32>
        %mul3A_398 = arith.mulf %get3A_395, %mul3A_397 : vector<16xf32>
        %swap3A_399 = arith.index_cast %scan3A_357 : i32 to index
        %swap3A_400 = arith.constant 48 : index
        %swap3A_401 = tpu.vector_load %arg10[%swap3A_399, %swap3A_400] {strides = array<i32>} : memref<64x128xf32, #tpu.memory_space<vmem>>, vector<1x16xf32>,
        %swap3A_402 = vector.shape_cast %swap3A_401 : vector<1x16xf32> to vector<16xf32>
        %swap3A_403 = vector.shape_cast %mul3A_398 : vector<16xf32> to vector<1x16xf32>
        tpu.vector_store %arg10[%swap3A_399, %swap3A_400], %swap3A_403 {strides = array<i32>} : memref<64x128xf32, #tpu.memory_space<vmem>>, vector<1x16xf32>,
        %get3A_404 = arith.index_cast %scan3A_357 : i32 to index
        %get3A_405 = arith.constant 0 : index
        %get3A_406 = tpu.vector_load %arg11[%get3A_404, %get3A_405] {strides = array<i32>} : memref<64x16xf32, #tpu.memory_space<vmem>>, vector<1x16xf32>,
        %get3A_407 = vector.shape_cast %get3A_406 : vector<1x16xf32> to vector<16xf32>
        %mul3A_408 = arith.constant 9.900000e+01 : f32
        %mul3A_409 = vector.broadcast %mul3A_408 : f32 to vector<16xf32>
        %mul3A_410 = arith.mulf %get3A_407, %mul3A_409 : vector<16xf32>
        %swap3A_411 = arith.index_cast %scan3A_357 : i32 to index
        %swap3A_412 = arith.constant 64 : index
        %swap3A_413 = tpu.vector_load %arg10[%swap3A_411, %swap3A_412] {strides = array<i32>} : memref<64x128xf32, #tpu.memory_space<vmem>>, vector<1x16xf32>,
        %swap3A_414 = vector.shape_cast %swap3A_413 : vector<1x16xf32> to vector<16xf32>
        %swap3A_415 = vector.shape_cast %mul3A_410 : vector<16xf32> to vector<1x16xf32>
        tpu.vector_store %arg10[%swap3A_411, %swap3A_412], %swap3A_415 {strides = array<i32>} : memref<64x128xf32, #tpu.memory_space<vmem>>, vector<1x16xf32>,
      }
      %scan3A_356 = arith.constant 64 : i32
      "tpu.region"() ({
        %run_scoped3A = tpu.sem_alloc : memref<!tpu.dma_semaphore, #tpu.memory_space<semaphore_mem>>
        %dma_start3A_357 = arith.constant 0 : i32
        %dma_start3A_358 = tpu.memref_slice %arg12[%mul3A_2, %dma_start3A_357] : memref<1024x128xf32, #tpu.memory_space<vmem_shared>> -> memref<64x128xf32, #tpu.memory_space<vmem_shared>>
        %dma_start3A_359 = arith.constant 0 : i32
        %dma_start3A_360 = tpu.memref_slice %arg12[%mul3A_2, %dma_start3A_359] : memref<1024x128xf32, #tpu.memory_space<vmem_shared>> -> memref<64x128xf32, #tpu.memory_space<vmem_shared>>
        tpu.enqueue_dma source(%arg10 : memref<64x128xf32, #tpu.memory_space<vmem>>) target(%dma_start3A_360 : memref<64x128xf32, #tpu.memory_space<vmem_shared>>) target_semaphore(%run_scoped3A : memref<!tpu.dma_semaphore, #tpu.memory_space<semaphore_mem>>)
        %dma_wait3A_361 = arith.constant 0 : i32
        %dma_wait3A_362 = tpu.memref_slice %arg12[%mul3A_2, %dma_wait3A_361] : memref<1024x128xf32, #tpu.memory_space<vmem_shared>> -> memref<64x128xf32, #tpu.memory_space<vmem_shared>>
        %dma_wait3A_363 = arith.constant 0 : i32
        %dma_wait3A_364 = tpu.memref_slice %arg12[%mul3A_2, %dma_wait3A_363] : memref<1024x128xf32, #tpu.memory_space<vmem_shared>> -> memref<64x128xf32, #tpu.memory_space<vmem_shared>>
        tpu.wait_dma2 semaphore(%run_scoped3A : memref<!tpu.dma_semaphore, #tpu.memory_space<semaphore_mem>>) src(%arg10 : memref<64x128xf32, #tpu.memory_space<vmem>>) dst(%dma_wait3A_364 : memref<64x128xf32, #tpu.memory_space<vmem_shared>>)
        tpu.yield
      }) : () -> ()
    } else {
    }
    %ne3A_219 = arith.constant 0 : i32
    %ne3A_220 = arith.cmpi ne, %arg0, %ne3A_219 : i32
    %convert_element_type3A_221 = arith.extui %ne3A_220 : i1 to i32
    %cond3A_222 = arith.constant 0 : i32
    %cond3A_223 = arith.cmpi ne, %convert_element_type3A_221, %cond3A_222 : i32
    scf.if %cond3A_223 {
      "tpu.region"() ({
        %run_scoped3A = tpu.sem_alloc : memref<!tpu.dma_semaphore, #tpu.memory_space<semaphore_mem>>
        %dma_start3A_352 = arith.constant 0 : i32
        %dma_start3A_353 = tpu.memref_slice %arg12[%mul3A_2, %dma_start3A_352] : memref<1024x128xf32, #tpu.memory_space<vmem_shared>> -> memref<64x128xf32, #tpu.memory_space<vmem_shared>>
        %dma_start3A_354 = arith.constant 0 : i32
        %dma_start3A_355 = tpu.memref_slice %arg4[%mul3A_2, %dma_start3A_354] : memref<1024x128xf32, #tpu.memory_space<hbm>> -> memref<64x128xf32, #tpu.memory_space<hbm>>
        tpu.enqueue_dma source(%dma_start3A_355 : memref<64x128xf32, #tpu.memory_space<hbm>>) target(%dma_start3A_353 : memref<64x128xf32, #tpu.memory_space<vmem_shared>>) target_semaphore(%run_scoped3A : memref<!tpu.dma_semaphore, #tpu.memory_space<semaphore_mem>>)
        %dma_wait3A_356 = arith.constant 0 : i32
        %dma_wait3A_357 = tpu.memref_slice %arg12[%mul3A_2, %dma_wait3A_356] : memref<1024x128xf32, #tpu.memory_space<vmem_shared>> -> memref<64x128xf32, #tpu.memory_space<vmem_shared>>
        %dma_wait3A_358 = arith.constant 0 : i32
        %dma_wait3A_359 = tpu.memref_slice %arg4[%mul3A_2, %dma_wait3A_358] : memref<1024x128xf32, #tpu.memory_space<hbm>> -> memref<64x128xf32, #tpu.memory_space<hbm>>
        tpu.wait_dma2 semaphore(%run_scoped3A : memref<!tpu.dma_semaphore, #tpu.memory_space<semaphore_mem>>) src(%dma_wait3A_359 : memref<64x128xf32, #tpu.memory_space<hbm>>) dst(%dma_wait3A_357 : memref<64x128xf32, #tpu.memory_space<vmem_shared>>)
        tpu.yield
      }) : () -> ()
    } else {
    }
    %barrier3A = arith.constant 0 : index
    tpu.barrier barrier_id(%barrier3A)
    %dma_wait3A = arith.constant 0 : i32
    %dma_wait3A_224 = arith.constant 0 : i32
    %dma_wait3A_225 = tpu.memref_slice %arg9[%dma_wait3A, %dma_wait3A_224] : memref<512x128xf32, #tpu.memory_space<vmem>> -> memref<128x128xf32, #tpu.memory_space<vmem>>
    %dma_wait3A_226 = arith.constant 0 : i32
    %dma_wait3A_227 = tpu.memref_slice %arg2[%select_n3A, %add3A_36, %dma_wait3A_226] : memref<16x1024x128xf32, #tpu.memory_space<hbm>> -> memref<1x128x128xf32, #tpu.memory_space<hbm>>
    %dma_wait3A_228 = tpu.memref_squeeze %dma_wait3A_227 : memref<1x128x128xf32, #tpu.memory_space<hbm>> -> memref<128x128xf32, #tpu.memory_space<hbm>>
    %dma_wait3A_229 = arith.constant 0 : i32
    %dma_wait3A_230 = arith.constant 0 : i32
    %dma_wait3A_231 = tpu.memref_slice %arg9[%dma_wait3A_229, %dma_wait3A_230] : memref<512x128xf32, #tpu.memory_space<vmem>> -> memref<128x128xf32, #tpu.memory_space<vmem>>
    %dma_wait3A_232 = arith.constant 0 : i32
    %dma_wait3A_233 = tpu.memref_slice %arg2[%select_n3A, %add3A_36, %dma_wait3A_232] : memref<16x1024x128xf32, #tpu.memory_space<hbm>> -> memref<1x128x128xf32, #tpu.memory_space<hbm>>
    %dma_wait3A_234 = tpu.memref_squeeze %dma_wait3A_233 : memref<1x128x128xf32, #tpu.memory_space<hbm>> -> memref<128x128xf32, #tpu.memory_space<hbm>>
    tpu.wait_dma2 semaphore(%arg14 : memref<!tpu.dma_semaphore, #tpu.memory_space<semaphore_mem>>) src(%dma_wait3A_234 : memref<128x128xf32, #tpu.memory_space<hbm>>) dst(%dma_wait3A_231 : memref<128x128xf32, #tpu.memory_space<vmem>>)
    %dma_start3A_235 = arith.constant 0 : i32
    %dma_start3A_236 = arith.constant 0 : i32
    %dma_start3A_237 = arith.constant 0 : i32
    %dma_start3A_238 = tpu.memref_slice %arg9[%dma_start3A_236, %dma_start3A_237] : memref<512x128xf32, #tpu.memory_space<vmem>> -> memref<128x128xf32, #tpu.memory_space<vmem>>
    %dma_start3A_239 = arith.constant 0 : i32
    %dma_start3A_240 = tpu.memref_slice %arg8[%dma_start3A_235, %dma_start3A_239] : memref<4x128xi32, #tpu.memory_space<vmem>> -> memref<1x128xi32, #tpu.memory_space<vmem>>
    %dma_start3A_241 = tpu.memref_squeeze %dma_start3A_240 : memref<1x128xi32, #tpu.memory_space<vmem>> -> memref<128xi32, #tpu.memory_space<vmem>>
    %dma_start3A_242 = arith.constant 0 : i32
    %dma_start3A_243 = arith.constant 0 : i32
    %dma_start3A_244 = tpu.memref_slice %arg12[%dma_start3A_242, %dma_start3A_243] : memref<1024x128xf32, #tpu.memory_space<vmem_shared>> -> memref<1024x128xf32, #tpu.memory_space<vmem_shared>>
    tpu.enqueue_indirect_dma source(%dma_start3A_238 : memref<128x128xf32, #tpu.memory_space<vmem>>) target(%dma_start3A_244 : memref<1024x128xf32, #tpu.memory_space<vmem_shared>>) offsets(%dma_start3A_241 : memref<128xi32, #tpu.memory_space<vmem>>) semaphore(%arg13 : memref<!tpu.dma_semaphore, #tpu.memory_space<semaphore_mem>>) {add = true}
    %dma_wait3A_245 = arith.constant 128 : i32
    %dma_wait3A_246 = arith.constant 0 : i32
    %dma_wait3A_247 = tpu.memref_slice %arg9[%dma_wait3A_245, %dma_wait3A_246] : memref<512x128xf32, #tpu.memory_space<vmem>> -> memref<128x128xf32, #tpu.memory_space<vmem>>
    %dma_wait3A_248 = arith.constant 0 : i32
    %dma_wait3A_249 = tpu.memref_slice %arg2[%select_n3A_71, %add3A_91, %dma_wait3A_248] : memref<16x1024x128xf32, #tpu.memory_space<hbm>> -> memref<1x128x128xf32, #tpu.memory_space<hbm>>
    %dma_wait3A_250 = tpu.memref_squeeze %dma_wait3A_249 : memref<1x128x128xf32, #tpu.memory_space<hbm>> -> memref<128x128xf32, #tpu.memory_space<hbm>>
    %dma_wait3A_251 = arith.constant 128 : i32
    %dma_wait3A_252 = arith.constant 0 : i32
    %dma_wait3A_253 = tpu.memref_slice %arg9[%dma_wait3A_251, %dma_wait3A_252] : memref<512x128xf32, #tpu.memory_space<vmem>> -> memref<128x128xf32, #tpu.memory_space<vmem>>
    %dma_wait3A_254 = arith.constant 0 : i32
    %dma_wait3A_255 = tpu.memref_slice %arg2[%select_n3A_71, %add3A_91, %dma_wait3A_254] : memref<16x1024x128xf32, #tpu.memory_space<hbm>> -> memref<1x128x128xf32, #tpu.memory_space<hbm>>
    %dma_wait3A_256 = tpu.memref_squeeze %dma_wait3A_255 : memref<1x128x128xf32, #tpu.memory_space<hbm>> -> memref<128x128xf32, #tpu.memory_space<hbm>>
    tpu.wait_dma2 semaphore(%arg14 : memref<!tpu.dma_semaphore, #tpu.memory_space<semaphore_mem>>) src(%dma_wait3A_256 : memref<128x128xf32, #tpu.memory_space<hbm>>) dst(%dma_wait3A_253 : memref<128x128xf32, #tpu.memory_space<vmem>>)
    %dma_start3A_257 = arith.constant 1 : i32
    %dma_start3A_258 = arith.constant 128 : i32
    %dma_start3A_259 = arith.constant 0 : i32
    %dma_start3A_260 = tpu.memref_slice %arg9[%dma_start3A_258, %dma_start3A_259] : memref<512x128xf32, #tpu.memory_space<vmem>> -> memref<128x128xf32, #tpu.memory_space<vmem>>
    %dma_start3A_261 = arith.constant 0 : i32
    %dma_start3A_262 = tpu.memref_slice %arg8[%dma_start3A_257, %dma_start3A_261] : memref<4x128xi32, #tpu.memory_space<vmem>> -> memref<1x128xi32, #tpu.memory_space<vmem>>
    %dma_start3A_263 = tpu.memref_squeeze %dma_start3A_262 : memref<1x128xi32, #tpu.memory_space<vmem>> -> memref<128xi32, #tpu.memory_space<vmem>>
    %dma_start3A_264 = arith.constant 0 : i32
    %dma_start3A_265 = arith.constant 0 : i32
    %dma_start3A_266 = tpu.memref_slice %arg12[%dma_start3A_264, %dma_start3A_265] : memref<1024x128xf32, #tpu.memory_space<vmem_shared>> -> memref<1024x128xf32, #tpu.memory_space<vmem_shared>>
    tpu.enqueue_indirect_dma source(%dma_start3A_260 : memref<128x128xf32, #tpu.memory_space<vmem>>) target(%dma_start3A_266 : memref<1024x128xf32, #tpu.memory_space<vmem_shared>>) offsets(%dma_start3A_263 : memref<128xi32, #tpu.memory_space<vmem>>) semaphore(%arg13 : memref<!tpu.dma_semaphore, #tpu.memory_space<semaphore_mem>>) {add = true}
    %dma_wait3A_267 = arith.constant 256 : i32
    %dma_wait3A_268 = arith.constant 0 : i32
    %dma_wait3A_269 = tpu.memref_slice %arg9[%dma_wait3A_267, %dma_wait3A_268] : memref<512x128xf32, #tpu.memory_space<vmem>> -> memref<128x128xf32, #tpu.memory_space<vmem>>
    %dma_wait3A_270 = arith.constant 0 : i32
    %dma_wait3A_271 = tpu.memref_slice %arg2[%select_n3A_127, %add3A_147, %dma_wait3A_270] : memref<16x1024x128xf32, #tpu.memory_space<hbm>> -> memref<1x128x128xf32, #tpu.memory_space<hbm>>
    %dma_wait3A_272 = tpu.memref_squeeze %dma_wait3A_271 : memref<1x128x128xf32, #tpu.memory_space<hbm>> -> memref<128x128xf32, #tpu.memory_space<hbm>>
    %dma_wait3A_273 = arith.constant 256 : i32
    %dma_wait3A_274 = arith.constant 0 : i32
    %dma_wait3A_275 = tpu.memref_slice %arg9[%dma_wait3A_273, %dma_wait3A_274] : memref<512x128xf32, #tpu.memory_space<vmem>> -> memref<128x128xf32, #tpu.memory_space<vmem>>
    %dma_wait3A_276 = arith.constant 0 : i32
    %dma_wait3A_277 = tpu.memref_slice %arg2[%select_n3A_127, %add3A_147, %dma_wait3A_276] : memref<16x1024x128xf32, #tpu.memory_space<hbm>> -> memref<1x128x128xf32, #tpu.memory_space<hbm>>
    %dma_wait3A_278 = tpu.memref_squeeze %dma_wait3A_277 : memref<1x128x128xf32, #tpu.memory_space<hbm>> -> memref<128x128xf32, #tpu.memory_space<hbm>>
    tpu.wait_dma2 semaphore(%arg14 : memref<!tpu.dma_semaphore, #tpu.memory_space<semaphore_mem>>) src(%dma_wait3A_278 : memref<128x128xf32, #tpu.memory_space<hbm>>) dst(%dma_wait3A_275 : memref<128x128xf32, #tpu.memory_space<vmem>>)
    %dma_start3A_279 = arith.constant 2 : i32
    %dma_start3A_280 = arith.constant 256 : i32
    %dma_start3A_281 = arith.constant 0 : i32
    %dma_start3A_282 = tpu.memref_slice %arg9[%dma_start3A_280, %dma_start3A_281] : memref<512x128xf32, #tpu.memory_space<vmem>> -> memref<128x128xf32, #tpu.memory_space<vmem>>
    %dma_start3A_283 = arith.constant 0 : i32
    %dma_start3A_284 = tpu.memref_slice %arg8[%dma_start3A_279, %dma_start3A_283] : memref<4x128xi32, #tpu.memory_space<vmem>> -> memref<1x128xi32, #tpu.memory_space<vmem>>
    %dma_start3A_285 = tpu.memref_squeeze %dma_start3A_284 : memref<1x128xi32, #tpu.memory_space<vmem>> -> memref<128xi32, #tpu.memory_space<vmem>>
    %dma_start3A_286 = arith.constant 0 : i32
    %dma_start3A_287 = arith.constant 0 : i32
    %dma_start3A_288 = tpu.memref_slice %arg12[%dma_start3A_286, %dma_start3A_287] : memref<1024x128xf32, #tpu.memory_space<vmem_shared>> -> memref<1024x128xf32, #tpu.memory_space<vmem_shared>>
    tpu.enqueue_indirect_dma source(%dma_start3A_282 : memref<128x128xf32, #tpu.memory_space<vmem>>) target(%dma_start3A_288 : memref<1024x128xf32, #tpu.memory_space<vmem_shared>>) offsets(%dma_start3A_285 : memref<128xi32, #tpu.memory_space<vmem>>) semaphore(%arg13 : memref<!tpu.dma_semaphore, #tpu.memory_space<semaphore_mem>>) {add = true}
    %dma_wait3A_289 = arith.constant 384 : i32
    %dma_wait3A_290 = arith.constant 0 : i32
    %dma_wait3A_291 = tpu.memref_slice %arg9[%dma_wait3A_289, %dma_wait3A_290] : memref<512x128xf32, #tpu.memory_space<vmem>> -> memref<128x128xf32, #tpu.memory_space<vmem>>
    %dma_wait3A_292 = arith.constant 0 : i32
    %dma_wait3A_293 = tpu.memref_slice %arg2[%select_n3A_183, %add3A_203, %dma_wait3A_292] : memref<16x1024x128xf32, #tpu.memory_space<hbm>> -> memref<1x128x128xf32, #tpu.memory_space<hbm>>
    %dma_wait3A_294 = tpu.memref_squeeze %dma_wait3A_293 : memref<1x128x128xf32, #tpu.memory_space<hbm>> -> memref<128x128xf32, #tpu.memory_space<hbm>>
    %dma_wait3A_295 = arith.constant 384 : i32
    %dma_wait3A_296 = arith.constant 0 : i32
    %dma_wait3A_297 = tpu.memref_slice %arg9[%dma_wait3A_295, %dma_wait3A_296] : memref<512x128xf32, #tpu.memory_space<vmem>> -> memref<128x128xf32, #tpu.memory_space<vmem>>
    %dma_wait3A_298 = arith.constant 0 : i32
    %dma_wait3A_299 = tpu.memref_slice %arg2[%select_n3A_183, %add3A_203, %dma_wait3A_298] : memref<16x1024x128xf32, #tpu.memory_space<hbm>> -> memref<1x128x128xf32, #tpu.memory_space<hbm>>
    %dma_wait3A_300 = tpu.memref_squeeze %dma_wait3A_299 : memref<1x128x128xf32, #tpu.memory_space<hbm>> -> memref<128x128xf32, #tpu.memory_space<hbm>>
    tpu.wait_dma2 semaphore(%arg14 : memref<!tpu.dma_semaphore, #tpu.memory_space<semaphore_mem>>) src(%dma_wait3A_300 : memref<128x128xf32, #tpu.memory_space<hbm>>) dst(%dma_wait3A_297 : memref<128x128xf32, #tpu.memory_space<vmem>>)
    %dma_start3A_301 = arith.constant 3 : i32
    %dma_start3A_302 = arith.constant 384 : i32
    %dma_start3A_303 = arith.constant 0 : i32
    %dma_start3A_304 = tpu.memref_slice %arg9[%dma_start3A_302, %dma_start3A_303] : memref<512x128xf32, #tpu.memory_space<vmem>> -> memref<128x128xf32, #tpu.memory_space<vmem>>
    %dma_start3A_305 = arith.constant 0 : i32
    %dma_start3A_306 = tpu.memref_slice %arg8[%dma_start3A_301, %dma_start3A_305] : memref<4x128xi32, #tpu.memory_space<vmem>> -> memref<1x128xi32, #tpu.memory_space<vmem>>
    %dma_start3A_307 = tpu.memref_squeeze %dma_start3A_306 : memref<1x128xi32, #tpu.memory_space<vmem>> -> memref<128xi32, #tpu.memory_space<vmem>>
    %dma_start3A_308 = arith.constant 0 : i32
    %dma_start3A_309 = arith.constant 0 : i32
    %dma_start3A_310 = tpu.memref_slice %arg12[%dma_start3A_308, %dma_start3A_309] : memref<1024x128xf32, #tpu.memory_space<vmem_shared>> -> memref<1024x128xf32, #tpu.memory_space<vmem_shared>>
    tpu.enqueue_indirect_dma source(%dma_start3A_304 : memref<128x128xf32, #tpu.memory_space<vmem>>) target(%dma_start3A_310 : memref<1024x128xf32, #tpu.memory_space<vmem_shared>>) offsets(%dma_start3A_307 : memref<128xi32, #tpu.memory_space<vmem>>) semaphore(%arg13 : memref<!tpu.dma_semaphore, #tpu.memory_space<semaphore_mem>>) {add = true}
    %dma_wait3A_311 = arith.constant 0 : i32
    %dma_wait3A_312 = arith.constant 0 : i32
    %dma_wait3A_313 = arith.constant 0 : i32
    %dma_wait3A_314 = tpu.memref_slice %arg9[%dma_wait3A_312, %dma_wait3A_313] : memref<512x128xf32, #tpu.memory_space<vmem>> -> memref<128x128xf32, #tpu.memory_space<vmem>>
    %dma_wait3A_315 = arith.constant 0 : i32
    %dma_wait3A_316 = tpu.memref_slice %arg8[%dma_wait3A_311, %dma_wait3A_315] : memref<4x128xi32, #tpu.memory_space<vmem>> -> memref<1x128xi32, #tpu.memory_space<vmem>>
    %dma_wait3A_317 = tpu.memref_squeeze %dma_wait3A_316 : memref<1x128xi32, #tpu.memory_space<vmem>> -> memref<128xi32, #tpu.memory_space<vmem>>
    %dma_wait3A_318 = arith.constant 0 : i32
    %dma_wait3A_319 = arith.constant 0 : i32
    %dma_wait3A_320 = tpu.memref_slice %arg12[%dma_wait3A_318, %dma_wait3A_319] : memref<1024x128xf32, #tpu.memory_space<vmem_shared>> -> memref<1024x128xf32, #tpu.memory_space<vmem_shared>>
    tpu.wait_indirect_dma semaphore(%arg13 : memref<!tpu.dma_semaphore, #tpu.memory_space<semaphore_mem>>) src(%dma_wait3A_314 : memref<128x128xf32, #tpu.memory_space<vmem>>) dst(%dma_wait3A_320 : memref<1024x128xf32, #tpu.memory_space<vmem_shared>>)
    %dma_wait3A_321 = arith.constant 1 : i32
    %dma_wait3A_322 = arith.constant 128 : i32
    %dma_wait3A_323 = arith.constant 0 : i32
    %dma_wait3A_324 = tpu.memref_slice %arg9[%dma_wait3A_322, %dma_wait3A_323] : memref<512x128xf32, #tpu.memory_space<vmem>> -> memref<128x128xf32, #tpu.memory_space<vmem>>
    %dma_wait3A_325 = arith.constant 0 : i32
    %dma_wait3A_326 = tpu.memref_slice %arg8[%dma_wait3A_321, %dma_wait3A_325] : memref<4x128xi32, #tpu.memory_space<vmem>> -> memref<1x128xi32, #tpu.memory_space<vmem>>
    %dma_wait3A_327 = tpu.memref_squeeze %dma_wait3A_326 : memref<1x128xi32, #tpu.memory_space<vmem>> -> memref<128xi32, #tpu.memory_space<vmem>>
    %dma_wait3A_328 = arith.constant 0 : i32
    %dma_wait3A_329 = arith.constant 0 : i32
    %dma_wait3A_330 = tpu.memref_slice %arg12[%dma_wait3A_328, %dma_wait3A_329] : memref<1024x128xf32, #tpu.memory_space<vmem_shared>> -> memref<1024x128xf32, #tpu.memory_space<vmem_shared>>
    tpu.wait_indirect_dma semaphore(%arg13 : memref<!tpu.dma_semaphore, #tpu.memory_space<semaphore_mem>>) src(%dma_wait3A_324 : memref<128x128xf32, #tpu.memory_space<vmem>>) dst(%dma_wait3A_330 : memref<1024x128xf32, #tpu.memory_space<vmem_shared>>)
    %dma_wait3A_331 = arith.constant 2 : i32
    %dma_wait3A_332 = arith.constant 256 : i32
    %dma_wait3A_333 = arith.constant 0 : i32
    %dma_wait3A_334 = tpu.memref_slice %arg9[%dma_wait3A_332, %dma_wait3A_333] : memref<512x128xf32, #tpu.memory_space<vmem>> -> memref<128x128xf32, #tpu.memory_space<vmem>>
    %dma_wait3A_335 = arith.constant 0 : i32
    %dma_wait3A_336 = tpu.memref_slice %arg8[%dma_wait3A_331, %dma_wait3A_335] : memref<4x128xi32, #tpu.memory_space<vmem>> -> memref<1x128xi32, #tpu.memory_space<vmem>>
    %dma_wait3A_337 = tpu.memref_squeeze %dma_wait3A_336 : memref<1x128xi32, #tpu.memory_space<vmem>> -> memref<128xi32, #tpu.memory_space<vmem>>
    %dma_wait3A_338 = arith.constant 0 : i32
    %dma_wait3A_339 = arith.constant 0 : i32
    %dma_wait3A_340 = tpu.memref_slice %arg12[%dma_wait3A_338, %dma_wait3A_339] : memref<1024x128xf32, #tpu.memory_space<vmem_shared>> -> memref<1024x128xf32, #tpu.memory_space<vmem_shared>>
    tpu.wait_indirect_dma semaphore(%arg13 : memref<!tpu.dma_semaphore, #tpu.memory_space<semaphore_mem>>) src(%dma_wait3A_334 : memref<128x128xf32, #tpu.memory_space<vmem>>) dst(%dma_wait3A_340 : memref<1024x128xf32, #tpu.memory_space<vmem_shared>>)
    %dma_wait3A_341 = arith.constant 3 : i32
    %dma_wait3A_342 = arith.constant 384 : i32
    %dma_wait3A_343 = arith.constant 0 : i32
    %dma_wait3A_344 = tpu.memref_slice %arg9[%dma_wait3A_342, %dma_wait3A_343] : memref<512x128xf32, #tpu.memory_space<vmem>> -> memref<128x128xf32, #tpu.memory_space<vmem>>
    %dma_wait3A_345 = arith.constant 0 : i32
    %dma_wait3A_346 = tpu.memref_slice %arg8[%dma_wait3A_341, %dma_wait3A_345] : memref<4x128xi32, #tpu.memory_space<vmem>> -> memref<1x128xi32, #tpu.memory_space<vmem>>
    %dma_wait3A_347 = tpu.memref_squeeze %dma_wait3A_346 : memref<1x128xi32, #tpu.memory_space<vmem>> -> memref<128xi32, #tpu.memory_space<vmem>>
    %dma_wait3A_348 = arith.constant 0 : i32
    %dma_wait3A_349 = arith.constant 0 : i32
    %dma_wait3A_350 = tpu.memref_slice %arg12[%dma_wait3A_348, %dma_wait3A_349] : memref<1024x128xf32, #tpu.memory_space<vmem_shared>> -> memref<1024x128xf32, #tpu.memory_space<vmem_shared>>
    tpu.wait_indirect_dma semaphore(%arg13 : memref<!tpu.dma_semaphore, #tpu.memory_space<semaphore_mem>>) src(%dma_wait3A_344 : memref<128x128xf32, #tpu.memory_space<vmem>>) dst(%dma_wait3A_350 : memref<1024x128xf32, #tpu.memory_space<vmem_shared>>)
    %barrier3A_351 = arith.constant 0 : index
    tpu.barrier barrier_id(%barrier3A_351)
    "tpu.region"() ({
      %run_scoped3A = tpu.sem_alloc : memref<!tpu.dma_semaphore, #tpu.memory_space<semaphore_mem>>
      %dma_start3A_352 = arith.constant 0 : i32
      %dma_start3A_353 = tpu.memref_slice %arg7[%arg0, %mul3A_2, %dma_start3A_352] : memref<2x1024x128xf32, #tpu.memory_space<hbm>> -> memref<1x64x128xf32, #tpu.memory_space<hbm>>
      %dma_start3A_354 = tpu.memref_squeeze %dma_start3A_353 : memref<1x64x128xf32, #tpu.memory_space<hbm>> -> memref<64x128xf32, #tpu.memory_space<hbm>>
      %dma_start3A_355 = arith.constant 0 : i32
      %dma_start3A_356 = tpu.memref_slice %arg12[%mul3A_2, %dma_start3A_355] : memref<1024x128xf32, #tpu.memory_space<vmem_shared>> -> memref<64x128xf32, #tpu.memory_space<vmem_shared>>
      tpu.enqueue_dma source(%dma_start3A_356 : memref<64x128xf32, #tpu.memory_space<vmem_shared>>) target(%dma_start3A_354 : memref<64x128xf32, #tpu.memory_space<hbm>>) target_semaphore(%run_scoped3A : memref<!tpu.dma_semaphore, #tpu.memory_space<semaphore_mem>>)
      %dma_wait3A_357 = arith.constant 0 : i32
      %dma_wait3A_358 = tpu.memref_slice %arg7[%arg0, %mul3A_2, %dma_wait3A_357] : memref<2x1024x128xf32, #tpu.memory_space<hbm>> -> memref<1x64x128xf32, #tpu.memory_space<hbm>>
      %dma_wait3A_359 = tpu.memref_squeeze %dma_wait3A_358 : memref<1x64x128xf32, #tpu.memory_space<hbm>> -> memref<64x128xf32, #tpu.memory_space<hbm>>
      %dma_wait3A_360 = arith.constant 0 : i32
      %dma_wait3A_361 = tpu.memref_slice %arg12[%mul3A_2, %dma_wait3A_360] : memref<1024x128xf32, #tpu.memory_space<vmem_shared>> -> memref<64x128xf32, #tpu.memory_space<vmem_shared>>
      tpu.wait_dma2 semaphore(%run_scoped3A : memref<!tpu.dma_semaphore, #tpu.memory_space<semaphore_mem>>) src(%dma_wait3A_361 : memref<64x128xf32, #tpu.memory_space<vmem_shared>>) dst(%dma_wait3A_359 : memref<64x128xf32, #tpu.memory_space<hbm>>)
      tpu.yield
    }) : () -> ()
    return
  }
}

module attributes {stable_mosaic.version = 14 : i64} {
  func.func @_argmin_body(%arg0: i32, %arg1: memref<2x64x1024xf32, #tpu.memory_space<vmem>>, %arg2: memref<1024x64xf32, #tpu.memory_space<vmem>>, %arg3: memref<8x128xf32, #tpu.memory_space<vmem>>, %arg4: memref<2x1x1024xi32, #tpu.memory_space<vmem>>, %arg5: memref<2x1024x128xf32, #tpu.memory_space<vmem>>, %arg6: memref<2x128xf32, #tpu.memory_space<vmem>>, %arg7: memref<1x1xf32, #tpu.memory_space<smem>>) attributes {dimension_semantics = [#tpu.dimension_semantics<arbitrary>], iteration_bounds = array<i64: 8>, scalar_prefetch = 0 : i64, scratch_operands = 1 : i64, tpu.core_type = #tpu.core_type<tc>, window_params = [{transform_indices = @transform_0, window_bounds = array<i64: 2, 64, 1024>}, {pipeline_mode = #tpu.pipeline_mode<synchronous>, transform_indices = @transform_1, window_bounds = array<i64: 1024, 64>}, {pipeline_mode = #tpu.pipeline_mode<synchronous>, transform_indices = @transform_2, window_bounds = array<i64: 8, 128>}, {transform_indices = @transform_3, window_bounds = array<i64: 2, 1, 1024>}, {transform_indices = @transform_4, window_bounds = array<i64: 2, 1024, 128>}, {pipeline_mode = #tpu.pipeline_mode<synchronous>, transform_indices = @transform_5, window_bounds = array<i64: 2, 128>}]} {
    %get3A = arith.constant 0 : index
    %get3A_0 = arith.constant 0 : index
    %get3A_1 = vector.load %arg2[%get3A, %get3A_0] : memref<1024x64xf32, #tpu.memory_space<vmem>>, vector<1024x64xf32>
    %mul3A = arith.mulf %get3A_1, %get3A_1 : vector<1024x64xf32>
    %reduce_sum3A = arith.constant dense<0.000000e+00> : vector<1024xf32>
    %reduce_sum3A_2 = vector.multi_reduction <add>, %mul3A, %reduce_sum3A [1] : vector<1024x64xf32> to vector<1024xf32>
    %broadcast_in_dim3A = vector.shape_cast %reduce_sum3A_2 : vector<1024xf32> to vector<1024x1xf32>
    %iota3A = tpu.iota {dimensions = array<i32: 0>} : vector<64x128xi32>
    %iota3A_3 = tpu.iota {dimensions = array<i32: 1>} : vector<64x128xi32>
    %eq3A = arith.cmpi eq, %iota3A, %iota3A_3 : vector<64x128xi32>
    %convert_element_type3A = arith.extui %eq3A : vector<64x128xi1> to vector<64x128xi32>
    %convert_element_type3A_4 = arith.sitofp %convert_element_type3A : vector<64x128xi32> to vector<64x128xf32>
    %iota3A_5 = tpu.iota {dimensions = array<i32: 1>} : vector<1024x128xi32>
    %ge3A = arith.constant 64 : i32
    %ge3A_6 = vector.broadcast %ge3A : i32 to vector<1024x128xi32>
    %ge3A_7 = arith.cmpi sge, %iota3A_5, %ge3A_6 : vector<1024x128xi32>
    %lt3A = arith.constant 80 : i32
    %lt3A_8 = vector.broadcast %lt3A : i32 to vector<1024x128xi32>
    %lt3A_9 = arith.cmpi slt, %iota3A_5, %lt3A_8 : vector<1024x128xi32>
    %and3A = arith.andi %ge3A_7, %lt3A_9 : vector<1024x128xi1>
    %convert_element_type3A_10 = arith.extui %and3A : vector<1024x128xi1> to vector<1024x128xi32>
    %convert_element_type3A_11 = arith.sitofp %convert_element_type3A_10 : vector<1024x128xi32> to vector<1024x128xf32>
    %iota3A_12 = tpu.iota {dimensions = array<i32: 0>} : vector<1024x1024xi32>
    %add3A = arith.addf %get3A_1, %get3A_1 : vector<1024x64xf32>
    %get3A_13 = arith.constant 0 : index
    %get3A_14 = arith.constant 0 : index
    %get3A_15 = arith.constant 0 : index
    %get3A_16 = vector.load %arg1[%get3A_13, %get3A_14, %get3A_15] : memref<2x64x1024xf32, #tpu.memory_space<vmem>>, vector<1x64x1024xf32>
    %get3A_17 = vector.shape_cast %get3A_16 : vector<1x64x1024xf32> to vector<64x1024xf32>
    %dot_general3A = arith.constant dense<0.000000e+00> : vector<1024x1024xf32>
    %dot_general3A_18 = tpu.matmul %add3A, %get3A_17, %dot_general3A {dimension_numbers = #tpu.dot_dimension_numbers<[1], [0], [0], [1], [0, 0, 1, 1], [], []>, transpose_lhs_hint = false} : vector<1024x64xf32>, vector<64x1024xf32>, vector<1024x1024xf32> -> vector<1024x1024xf32>
    %mul3A_19 = arith.mulf %get3A_17, %get3A_17 : vector<64x1024xf32>
    %reduce_sum3A_20 = arith.constant dense<0.000000e+00> : vector<1024xf32>
    %reduce_sum3A_21 = vector.multi_reduction <add>, %mul3A_19, %reduce_sum3A_20 [0] : vector<64x1024xf32> to vector<1024xf32>
    %broadcast_in_dim3A_22 = vector.shape_cast %reduce_sum3A_21 : vector<1024xf32> to vector<1x1024xf32>
    %add3A_23 = vector.broadcast %broadcast_in_dim3A_22 : vector<1x1024xf32> to vector<1024x1024xf32>
    %add3A_24 = vector.broadcast %broadcast_in_dim3A : vector<1024x1xf32> to vector<1024x1024xf32>
    %add3A_25 = arith.addf %add3A_23, %add3A_24 : vector<1024x1024xf32>
    %sub3A = arith.subf %add3A_25, %dot_general3A_18 : vector<1024x1024xf32>
    %reduce_min3A = arith.constant dense<0x7F800000> : vector<1024xf32>
    %reduce_min3A_26 = vector.multi_reduction <minimumf>, %sub3A, %reduce_min3A [0] : vector<1024x1024xf32> to vector<1024xf32>
    %broadcast_in_dim3A_27 = vector.shape_cast %reduce_min3A_26 : vector<1024xf32> to vector<1x1024xf32>
    %eq3A_28 = vector.broadcast %broadcast_in_dim3A_27 : vector<1x1024xf32> to vector<1024x1024xf32>
    %eq3A_29 = arith.cmpf oeq, %sub3A, %eq3A_28 : vector<1024x1024xf32>
    %jit3A = arith.constant 1024 : i32
    %broadcast_in_dim3A_30 = vector.broadcast %jit3A : i32 to vector<1024x1024xi32>
    %select_n3A = arith.select %eq3A_29, %iota3A_12, %broadcast_in_dim3A_30 : vector<1024x1024xi1>, vector<1024x1024xi32>
    %reduce_min3A_31 = arith.constant dense<2147483647> : vector<1024xi32>
    %reduce_min3A_32 = vector.multi_reduction <minsi>, %select_n3A, %reduce_min3A_31 [0] : vector<1024x1024xi32> to vector<1024xi32>
    %swap3A = arith.constant 0 : index
    %swap3A_33 = arith.constant 0 : index
    %swap3A_34 = arith.constant 0 : index
    %swap3A_35 = vector.load %arg4[%swap3A, %swap3A_33, %swap3A_34] : memref<2x1x1024xi32, #tpu.memory_space<vmem>>, vector<1x1x1024xi32>
    %swap3A_36 = vector.shape_cast %swap3A_35 : vector<1x1x1024xi32> to vector<1024xi32>
    %swap3A_37 = vector.shape_cast %reduce_min3A_32 : vector<1024xi32> to vector<1x1x1024xi32>
    tpu.vector_store %arg4[%swap3A, %swap3A_33, %swap3A_34], %swap3A_37 {strides = array<i32>} : memref<2x1x1024xi32, #tpu.memory_space<vmem>>, vector<1x1x1024xi32>,
    %dot_general3A_38 = arith.constant dense<0.000000e+00> : vector<1024x128xf32>
    %dot_general3A_39 = tpu.matmul %get3A_17, %convert_element_type3A_4, %dot_general3A_38 {dimension_numbers = #tpu.dot_dimension_numbers<[0], [0], [1], [1], [0, 1, 1, 1], [], []>, transpose_lhs_hint = false} : vector<64x1024xf32>, vector<64x128xf32>, vector<1024x128xf32> -> vector<1024x128xf32>
    %add3A_40 = arith.addf %dot_general3A_39, %convert_element_type3A_11 : vector<1024x128xf32>
    %swap3A_41 = arith.constant 0 : index
    %swap3A_42 = arith.constant 0 : index
    %swap3A_43 = arith.constant 0 : index
    %swap3A_44 = vector.load %arg5[%swap3A_41, %swap3A_42, %swap3A_43] : memref<2x1024x128xf32, #tpu.memory_space<vmem>>, vector<1x1024x128xf32>
    %swap3A_45 = vector.shape_cast %swap3A_44 : vector<1x1024x128xf32> to vector<1024x128xf32>
    %swap3A_46 = vector.shape_cast %add3A_40 : vector<1024x128xf32> to vector<1x1024x128xf32>
    tpu.vector_store %arg5[%swap3A_41, %swap3A_42, %swap3A_43], %swap3A_46 {strides = array<i32>} : memref<2x1024x128xf32, #tpu.memory_space<vmem>>, vector<1x1024x128xf32>,
    %reduce_sum3A_47 = vector.shape_cast %broadcast_in_dim3A_22 : vector<1x1024xf32> to vector<1x1x1024xf32>
    %reduce_sum3A_48 = arith.constant dense<0.000000e+00> : vector<1xf32>
    %reduce_sum3A_49 = vector.multi_reduction <add>, %reduce_sum3A_47, %reduce_sum3A_48 [1, 2] : vector<1x1x1024xf32> to vector<1xf32>
    %reduce_sum3A_50 = vector.shape_cast %reduce_sum3A_49 : vector<1xf32> to vector<1x1x1xf32>
    %reduce_sum3A_51 = vector.extract %reduce_sum3A_50[0, 0, 0] : f32 from vector<1x1x1xf32>
    %add3A_52 = arith.constant 0.000000e+00 : f32
    %add3A_53 = arith.addf %add3A_52, %reduce_sum3A_51 : f32
    %get3A_54 = arith.constant 1 : index
    %get3A_55 = arith.constant 0 : index
    %get3A_56 = arith.constant 0 : index
    %get3A_57 = vector.load %arg1[%get3A_54, %get3A_55, %get3A_56] : memref<2x64x1024xf32, #tpu.memory_space<vmem>>, vector<1x64x1024xf32>
    %get3A_58 = vector.shape_cast %get3A_57 : vector<1x64x1024xf32> to vector<64x1024xf32>
    %dot_general3A_59 = arith.constant dense<0.000000e+00> : vector<1024x1024xf32>
    %dot_general3A_60 = tpu.matmul %add3A, %get3A_58, %dot_general3A_59 {dimension_numbers = #tpu.dot_dimension_numbers<[1], [0], [0], [1], [0, 0, 1, 1], [], []>, transpose_lhs_hint = false} : vector<1024x64xf32>, vector<64x1024xf32>, vector<1024x1024xf32> -> vector<1024x1024xf32>
    %mul3A_61 = arith.mulf %get3A_58, %get3A_58 : vector<64x1024xf32>
    %reduce_sum3A_62 = arith.constant dense<0.000000e+00> : vector<1024xf32>
    %reduce_sum3A_63 = vector.multi_reduction <add>, %mul3A_61, %reduce_sum3A_62 [0] : vector<64x1024xf32> to vector<1024xf32>
    %broadcast_in_dim3A_64 = vector.shape_cast %reduce_sum3A_63 : vector<1024xf32> to vector<1x1024xf32>
    %add3A_65 = vector.broadcast %broadcast_in_dim3A_64 : vector<1x1024xf32> to vector<1024x1024xf32>
    %add3A_66 = vector.broadcast %broadcast_in_dim3A : vector<1024x1xf32> to vector<1024x1024xf32>
    %add3A_67 = arith.addf %add3A_65, %add3A_66 : vector<1024x1024xf32>
    %sub3A_68 = arith.subf %add3A_67, %dot_general3A_60 : vector<1024x1024xf32>
    %reduce_min3A_69 = arith.constant dense<0x7F800000> : vector<1024xf32>
    %reduce_min3A_70 = vector.multi_reduction <minimumf>, %sub3A_68, %reduce_min3A_69 [0] : vector<1024x1024xf32> to vector<1024xf32>
    %broadcast_in_dim3A_71 = vector.shape_cast %reduce_min3A_70 : vector<1024xf32> to vector<1x1024xf32>
    %eq3A_72 = vector.broadcast %broadcast_in_dim3A_71 : vector<1x1024xf32> to vector<1024x1024xf32>
    %eq3A_73 = arith.cmpf oeq, %sub3A_68, %eq3A_72 : vector<1024x1024xf32>
    %jit3A_74 = arith.constant 1024 : i32
    %broadcast_in_dim3A_75 = vector.broadcast %jit3A_74 : i32 to vector<1024x1024xi32>
    %select_n3A_76 = arith.select %eq3A_73, %iota3A_12, %broadcast_in_dim3A_75 : vector<1024x1024xi1>, vector<1024x1024xi32>
    %reduce_min3A_77 = arith.constant dense<2147483647> : vector<1024xi32>
    %reduce_min3A_78 = vector.multi_reduction <minsi>, %select_n3A_76, %reduce_min3A_77 [0] : vector<1024x1024xi32> to vector<1024xi32>
    %swap3A_79 = arith.constant 1 : index
    %swap3A_80 = arith.constant 0 : index
    %swap3A_81 = arith.constant 0 : index
    %swap3A_82 = vector.load %arg4[%swap3A_79, %swap3A_80, %swap3A_81] : memref<2x1x1024xi32, #tpu.memory_space<vmem>>, vector<1x1x1024xi32>
    %swap3A_83 = vector.shape_cast %swap3A_82 : vector<1x1x1024xi32> to vector<1024xi32>
    %swap3A_84 = vector.shape_cast %reduce_min3A_78 : vector<1024xi32> to vector<1x1x1024xi32>
    tpu.vector_store %arg4[%swap3A_79, %swap3A_80, %swap3A_81], %swap3A_84 {strides = array<i32>} : memref<2x1x1024xi32, #tpu.memory_space<vmem>>, vector<1x1x1024xi32>,
    %dot_general3A_85 = arith.constant dense<0.000000e+00> : vector<1024x128xf32>
    %dot_general3A_86 = tpu.matmul %get3A_58, %convert_element_type3A_4, %dot_general3A_85 {dimension_numbers = #tpu.dot_dimension_numbers<[0], [0], [1], [1], [0, 1, 1, 1], [], []>, transpose_lhs_hint = false} : vector<64x1024xf32>, vector<64x128xf32>, vector<1024x128xf32> -> vector<1024x128xf32>
    %add3A_87 = arith.addf %dot_general3A_86, %convert_element_type3A_11 : vector<1024x128xf32>
    %swap3A_88 = arith.constant 1 : index
    %swap3A_89 = arith.constant 0 : index
    %swap3A_90 = arith.constant 0 : index
    %swap3A_91 = vector.load %arg5[%swap3A_88, %swap3A_89, %swap3A_90] : memref<2x1024x128xf32, #tpu.memory_space<vmem>>, vector<1x1024x128xf32>
    %swap3A_92 = vector.shape_cast %swap3A_91 : vector<1x1024x128xf32> to vector<1024x128xf32>
    %swap3A_93 = vector.shape_cast %add3A_87 : vector<1024x128xf32> to vector<1x1024x128xf32>
    tpu.vector_store %arg5[%swap3A_88, %swap3A_89, %swap3A_90], %swap3A_93 {strides = array<i32>} : memref<2x1024x128xf32, #tpu.memory_space<vmem>>, vector<1x1024x128xf32>,
    %reduce_sum3A_94 = vector.shape_cast %broadcast_in_dim3A_64 : vector<1x1024xf32> to vector<1x1x1024xf32>
    %reduce_sum3A_95 = arith.constant dense<0.000000e+00> : vector<1xf32>
    %reduce_sum3A_96 = vector.multi_reduction <add>, %reduce_sum3A_94, %reduce_sum3A_95 [1, 2] : vector<1x1x1024xf32> to vector<1xf32>
    %reduce_sum3A_97 = vector.shape_cast %reduce_sum3A_96 : vector<1xf32> to vector<1x1x1xf32>
    %reduce_sum3A_98 = vector.extract %reduce_sum3A_97[0, 0, 0] : f32 from vector<1x1x1xf32>
    %add3A_99 = arith.addf %add3A_53, %reduce_sum3A_98 : f32
    %eq3A_100 = arith.constant 0 : i32
    %eq3A_101 = arith.cmpi eq, %arg0, %eq3A_100 : i32
    %convert_element_type3A_102 = arith.extui %eq3A_101 : i1 to i32
    %cond3A = arith.constant 0 : i32
    %cond3A_103 = arith.cmpi ne, %convert_element_type3A_102, %cond3A : i32
    scf.if %cond3A_103 {
      %get3A_116 = arith.constant 0 : index
      %get3A_117 = arith.constant 0 : index
      %get3A_118 = vector.load %arg3[%get3A_116, %get3A_117] : memref<8x128xf32, #tpu.memory_space<vmem>>, vector<8x128xf32>
      %reduce_sum3A_119 = vector.shape_cast %get3A_118 : vector<8x128xf32> to vector<1x8x128xf32>
      %reduce_sum3A_120 = arith.constant dense<0.000000e+00> : vector<1xf32>
      %reduce_sum3A_121 = vector.multi_reduction <add>, %reduce_sum3A_119, %reduce_sum3A_120 [1, 2] : vector<1x8x128xf32> to vector<1xf32>
      %reduce_sum3A_122 = vector.shape_cast %reduce_sum3A_121 : vector<1xf32> to vector<1x1x1xf32>
      %reduce_sum3A_123 = vector.extract %reduce_sum3A_122[0, 0, 0] : f32 from vector<1x1x1xf32>
      %mul3A_124 = arith.constant 9.900000e-01 : f32
      %mul3A_125 = arith.mulf %mul3A_124, %reduce_sum3A_123 : f32
      %add3A_126 = arith.constant 1.638400e+02 : f32
      %add3A_127 = arith.addf %mul3A_125, %add3A_126 : f32
      %broadcast_in_dim3A_128 = vector.broadcast %add3A_127 : f32 to vector<1x128xf32>
      %swap3A_129 = arith.constant 0 : index
      %swap3A_130 = arith.constant 0 : index
      %swap3A_131 = vector.load %arg6[%swap3A_129, %swap3A_130] : memref<2x128xf32, #tpu.memory_space<vmem>>, vector<1x128xf32>
      tpu.vector_store %arg6[%swap3A_129, %swap3A_130], %broadcast_in_dim3A_128 {strides = array<i32>} : memref<2x128xf32, #tpu.memory_space<vmem>>, vector<1x128xf32>,
      %swap3A_132 = arith.constant 0.000000e+00 : f32
      %swap3A_133 = arith.constant 0 : index
      %swap3A_134 = arith.constant 0 : index
      %swap3A_135 = memref.load %arg7[%swap3A_133, %swap3A_134] : memref<1x1xf32, #tpu.memory_space<smem>>
      memref.store %swap3A_132, %arg7[%swap3A_133, %swap3A_134] : memref<1x1xf32, #tpu.memory_space<smem>>
    } else {
    }
    %get3A_104 = arith.constant 0 : index
    %get3A_105 = arith.constant 0 : index
    %get3A_106 = memref.load %arg7[%get3A_104, %get3A_105] : memref<1x1xf32, #tpu.memory_space<smem>>
    %add3A_107 = arith.addf %get3A_106, %add3A_99 : f32
    %swap3A_108 = arith.constant 0 : index
    %swap3A_109 = arith.constant 0 : index
    %swap3A_110 = memref.load %arg7[%swap3A_108, %swap3A_109] : memref<1x1xf32, #tpu.memory_space<smem>>
    memref.store %add3A_107, %arg7[%swap3A_108, %swap3A_109] : memref<1x1xf32, #tpu.memory_space<smem>>
    %eq3A_111 = arith.constant 7 : i32
    %eq3A_112 = arith.cmpi eq, %arg0, %eq3A_111 : i32
    %convert_element_type3A_113 = arith.extui %eq3A_112 : i1 to i32
    %cond3A_114 = arith.constant 0 : i32
    %cond3A_115 = arith.cmpi ne, %convert_element_type3A_113, %cond3A_114 : i32
    scf.if %cond3A_115 {
      %get3A_116 = arith.constant 0 : index
      %get3A_117 = arith.constant 0 : index
      %get3A_118 = memref.load %arg7[%get3A_116, %get3A_117] : memref<1x1xf32, #tpu.memory_space<smem>>
      %broadcast_in_dim3A_119 = vector.broadcast %get3A_118 : f32 to vector<1x128xf32>
      %swap3A_120 = arith.constant 1 : index
      %swap3A_121 = arith.constant 0 : index
      %swap3A_122 = vector.load %arg6[%swap3A_120, %swap3A_121] : memref<2x128xf32, #tpu.memory_space<vmem>>, vector<1x128xf32>
      tpu.vector_store %arg6[%swap3A_120, %swap3A_121], %broadcast_in_dim3A_119 {strides = array<i32>} : memref<2x128xf32, #tpu.memory_space<vmem>>, vector<1x128xf32>,
    } else {
    }
    return
  }
  func.func @transform_0(%arg0: i32) -> (i32, i32, i32) {
    %c0_i32 = arith.constant 0 : i32
    %c0_i32_0 = arith.constant 0 : i32
    %c0_i32_1 = arith.constant 0 : i32
    return %arg0, %c0_i32, %c0_i32_0 : i32, i32, i32
  }
  func.func @transform_1(%arg0: i32) -> (i32, i32) {
    %c0_i32 = arith.constant 0 : i32
    %c0_i32_0 = arith.constant 0 : i32
    %c0_i32_1 = arith.constant 0 : i32
    return %c0_i32, %c0_i32_0 : i32, i32
  }
  func.func @transform_2(%arg0: i32) -> (i32, i32) {
    %c0_i32 = arith.constant 0 : i32
    %c0_i32_0 = arith.constant 0 : i32
    %c0_i32_1 = arith.constant 0 : i32
    return %c0_i32, %c0_i32_0 : i32, i32
  }
  func.func @transform_3(%arg0: i32) -> (i32, i32, i32) {
    %c0_i32 = arith.constant 0 : i32
    %c0_i32_0 = arith.constant 0 : i32
    %c0_i32_1 = arith.constant 0 : i32
    return %arg0, %c0_i32, %c0_i32_0 : i32, i32, i32
  }
  func.func @transform_4(%arg0: i32) -> (i32, i32, i32) {
    %c0_i32 = arith.constant 0 : i32
    %c0_i32_0 = arith.constant 0 : i32
    %c0_i32_1 = arith.constant 0 : i32
    return %arg0, %c0_i32, %c0_i32_0 : i32, i32, i32
  }
  func.func @transform_5(%arg0: i32) -> (i32, i32) {
    %c0_i32 = arith.constant 0 : i32
    %c0_i32_0 = arith.constant 0 : i32
    %c0_i32_1 = arith.constant 0 : i32
    return %c0_i32, %c0_i32_0 : i32, i32
  }
}

module attributes {stable_mosaic.version = 14 : i64} {
  func.func @_finish_body(%arg0: memref<2x128xf32, #tpu.memory_space<smem>>, %arg1: memref<32x2x16xf32, #tpu.memory_space<vmem>>, %arg2: memref<1x1xf32, #tpu.memory_space<smem>>) attributes {dimension_semantics = [], scalar_prefetch = 0 : i64, scratch_operands = 0 : i64, tpu.core_type = #tpu.core_type<tc>} {
    %get3A = arith.constant 1 : index
    %get3A_0 = arith.constant 0 : index
    %get3A_1 = memref.load %arg0[%get3A, %get3A_0] : memref<2x128xf32, #tpu.memory_space<smem>>
    %get3A_2 = arith.constant 0 : index
    %get3A_3 = arith.constant 0 : index
    %get3A_4 = arith.constant 0 : index
    %get3A_5 = vector.load %arg1[%get3A_2, %get3A_3, %get3A_4] : memref<32x2x16xf32, #tpu.memory_space<vmem>>, vector<32x1x16xf32>
    %get3A_6 = vector.shape_cast %get3A_5 : vector<32x1x16xf32> to vector<32x16xf32>
    %reduce_sum3A = vector.shape_cast %get3A_6 : vector<32x16xf32> to vector<1x32x16xf32>
    %reduce_sum3A_7 = arith.constant dense<0.000000e+00> : vector<1xf32>
    %reduce_sum3A_8 = vector.multi_reduction <add>, %reduce_sum3A, %reduce_sum3A_7 [1, 2] : vector<1x32x16xf32> to vector<1xf32>
    %reduce_sum3A_9 = vector.shape_cast %reduce_sum3A_8 : vector<1xf32> to vector<1x1x1xf32>
    %reduce_sum3A_10 = vector.extract %reduce_sum3A_9[0, 0, 0] : f32 from vector<1x1x1xf32>
    %mul3A = arith.constant 5.000000e-01 : f32
    %mul3A_11 = arith.mulf %mul3A, %reduce_sum3A_10 : f32
    %get3A_12 = arith.constant 0 : index
    %get3A_13 = arith.constant 1 : index
    %get3A_14 = arith.constant 0 : index
    %get3A_15 = vector.load %arg1[%get3A_12, %get3A_13, %get3A_14] : memref<32x2x16xf32, #tpu.memory_space<vmem>>, vector<32x1x16xf32>
    %get3A_16 = vector.shape_cast %get3A_15 : vector<32x1x16xf32> to vector<32x16xf32>
    %reduce_sum3A_17 = vector.shape_cast %get3A_16 : vector<32x16xf32> to vector<1x32x16xf32>
    %reduce_sum3A_18 = arith.constant dense<0.000000e+00> : vector<1xf32>
    %reduce_sum3A_19 = vector.multi_reduction <add>, %reduce_sum3A_17, %reduce_sum3A_18 [1, 2] : vector<1x32x16xf32> to vector<1xf32>
    %reduce_sum3A_20 = vector.shape_cast %reduce_sum3A_19 : vector<1xf32> to vector<1x1x1xf32>
    %reduce_sum3A_21 = vector.extract %reduce_sum3A_20[0, 0, 0] : f32 from vector<1x1x1xf32>
    %mul3A_22 = arith.constant 5.000000e-01 : f32
    %mul3A_23 = arith.mulf %mul3A_22, %reduce_sum3A_21 : f32
    %mul3A_24 = arith.constant 2.000000e+00 : f32
    %mul3A_25 = arith.mulf %mul3A_24, %mul3A_11 : f32
    %sub3A = arith.subf %mul3A_23, %mul3A_25 : f32
    %add3A = arith.addf %sub3A, %get3A_1 : f32
    %mul3A_26 = arith.constant 2.38418579E-7 : f32
    %mul3A_27 = arith.mulf %add3A, %mul3A_26 : f32
    %swap3A = arith.constant 0 : index
    %swap3A_28 = arith.constant 0 : index
    %swap3A_29 = memref.load %arg2[%swap3A, %swap3A_28] : memref<1x1xf32, #tpu.memory_space<smem>>
    memref.store %mul3A_27, %arg2[%swap3A, %swap3A_28] : memref<1x1xf32, #tpu.memory_space<smem>>
    return
  }
}

</mosaic_0001>

<sc_bundles>
// kernel: kernel.6.cloned.1.call-start
scs
__scs_entry_jumppad:
0x0: {  	(pc) =	sbr.rel $0x88, $3  }
0x1: {  	(tag) =	ssettag $0x0;
	lr =	simm.s32 $0x1  }
0x2: {  	[smem:$0x3F9D] =	sst lr;
	_ =	strace $0xD0000000  }
0x3: {  	_ = 	snop  }
0x4: {  	_ = 	snop  }
0x5: {  	_ = 	snop  }
0x6: {  	_ = 	snop  }
0x7: {  	_ = 	snop  }
__scs_overlays_trampoline_lowered:
0x8: {  	[smem:$0x3FAC] =	sst s0  }
0x9: {  	[smem:$0x3FAD] =	sst s1  }
0xa: {  	[smem:$0x3FAE] =	sst s2  }
0xb: {  	[smem:$0x3FAF] =	sst s3  }
0xc: {  	[smem:$0x3FB0] =	sst s4  }
0xd: {  	[smem:$0x3FB1] =	sst s5  }
0xe: {  	[smem:$0x3FB2] =	sst s6  }
0xf: {  	[smem:$0x3FB3] =	sst s7  }
0x10: {  	[smem:$0x3FB4] =	sst s8  }
0x11: {  	[smem:$0x3FB5] =	sst s9;
	s0 =	simm.s32 @!p0 $0x0  }
0x12: {  	s1 =	sld [smem:$0x3F9B];
	s0 =	simm.s32 @p0 $0x1  }
0x13: {  	[smem:$0x3FB6] =	sst s0;
	s0 =	simm.s32 @!p1 $0x0  }
0x14: {  	s2 =	sld [smem:$0x3F9A];
	s0 =	simm.s32 @p1 $0x1  }
0x15: {  	[smem:$0x3FB7] =	sst s0;
	s0 =	simm.s32 @!p2 $0x0  }
0x16: {  	s3 =	sld [smem:$0x3FDB];
	s0 =	simm.s32 @p2 $0x1  }
0x17: {  	s4 =	simm.s32 $0x1BF5;
	[smem:$0x3FB9] =	sst s0  }
0x18: {  	s0 =	sld [smem:$0x3F9C];
	_ =	swait.ge [sflag:s4], $0x0  }
0x19: {  	s7 =	sld [smem:$0x3F9D]  }
0x1a: {  	s8 =	sadd.s32 $0xFFFFE003, lr  }
0x1b: {  	s9 =	sadd.s32 $0xFFFFFEF7, lr;
	s5 =	simm.s32 $0xFFFFFFFF;
	p2 =	slt.u32 s8, $0xFFFFF086  }
0x1c: {  	p1 =	slt.u32 s9, $0xF7A;
	s5 =	simm.s32 @!p2 $0x0  }
0x1d: {  	s5 =	simm.s32 @p1 $0x1;
	p0 =	seq.s32 s7, s2  }
0x1e: {  	s7 =	smul.u32 @!p0 $0xF7A, s2;
	p2 =	seq.s32 @!p0 s5, $0x0  }
0x1f: {  	s9 =	smul.u32 $0xF7A, s1;
	s8 =	simm.s32 @!p0 $0x1BF5;
	p2 =	por !p2, p0  }
0x20: {  	[sflag:s8] =	ssyncset.s32 @!p0 $0xFFFFF086;
	s6 =	sadd.s32 @!p0 s3, s7;
	s7 =	simm.s32 @!p0 $0x108  }
0x21: {  	s3 =	sadd.s32 s3, s9;
	s6 =	sadd.s32 @!p0 $0x88, s6;
	s7 =	simm.s32 @p2 $0x1082  }
0x22: {  	[simem:s7], [sflag:s8] =	dma.local @!p0 [hbm:s6], $0xF7A  }
0x23: {  	s9 =	sor.u32 $0xD0000000, s2;
	s6 =	simm.s32 $0x108;
	_ =	swait.ge @!p0 [sflag:s8], $0x0  }
0x24: {  	s3 =	sadd.s32 $0x88, s3;
	s6 =	simm.s32 @!p1 $0x1082;
	[sflag:s4] =	ssyncset.s32 $0xFFFFF086  }
0x25: {  	[simem:s6], [sflag:s4] =	dma.local [hbm:s3], $0xF7A  }
0x26: {  	[smem:$0x3F9D] =	sst s1;
	(tag) =	ssettag s2;
	_ =	strace s9  }
0x27: {  	s1 =	sld [smem:$0x3FAD]  }
0x28: {  	s2 =	sld [smem:$0x3FAE]  }
0x29: {  	s4 =	sld [smem:$0x3FB0]  }
0x2a: {  	p0 =	seq.s32 s5, $0x0;
	s5 =	sld [smem:$0x3FB1]  }
0x2b: {  	s6 =	sld [smem:$0x3FB2]  }
0x2c: {  	s7 =	sld [smem:$0x3FB3]  }
0x2d: {  	s3 =	simm.s32 $0x108;
	s8 =	sld [smem:$0x3FB4]  }
0x2e: {  	s3 =	simm.s32 @!p0 $0x1082;
	s9 =	sld [smem:$0x3FB5]  }
0x2f: {  	lr =	sadd.s32 s0, s3;
	s0 =	sld [smem:$0x3FAC]  }
0x30: {  	s3 =	sld [smem:$0x3FAF]  }
0x31: {  	[smem:$0x3FB8] =	sst s10  }
0x32: {  	s10 =	sld [smem:$0x3FB6];
	_ =	sdelay $0x3  }
0x33: {  	p0 =	seq.s32 s10, $0x1;
	s10 =	sld [smem:$0x3FB8];
	_ =	sdelay $0x3  }
0x34: {  	[smem:$0x3FB8] =	sst s10  }
0x35: {  	s10 =	sld [smem:$0x3FB7];
	_ =	sdelay $0x3  }
0x36: {  	p1 =	seq.s32 s10, $0x1;
	s10 =	sld [smem:$0x3FB8];
	_ =	sdelay $0x3  }
0x37: {  	[smem:$0x3FB8] =	sst s10  }
0x38: {  	s10 =	sld [smem:$0x3FB9]  }
0x39: {  	_ = 	snop;
	(pc) =	sbr.ind lr, $3  }
0x3a: {  	_ = 	snop  }
0x3b: {  	_ = 	snop  }
0x3c: {  	p2 =	seq.s32 s10, $0x1;
	s10 =	sld [smem:$0x3FB8]  }
0x3d: {  	_ =	shalt  }
0x3e: {  	_ =	shalt  }
0x3f: {  	_ =	shalt  }
0x40: {  	_ =	shalt  }
0x41: {  	_ =	shalt  }
0x42: {  	_ =	shalt  }
0x43: {  	_ =	shalt  }
0x44: {  	_ =	shalt  }
0x45: {  	_ =	shalt  }
0x46: {  	_ =	shalt  }
0x47: {  	_ =	shalt  }
0x48: {  	_ =	shalt  }
0x49: {  	_ =	shalt  }
0x4a: {  	_ =	shalt  }
0x4b: {  	_ =	shalt  }
0x4c: {  	_ =	shalt  }
0x4d: {  	_ =	shalt  }
0x4e: {  	_ =	shalt  }
0x4f: {  	_ =	shalt  }
0x50: {  	_ =	shalt  }
0x51: {  	_ =	shalt  }
0x52: {  	_ =	shalt  }
0x53: {  	_ =	shalt  }
0x54: {  	_ =	shalt  }
0x55: {  	_ =	shalt  }
0x56: {  	_ =	shalt  }
0x57: {  	_ =	shalt  }
0x58: {  	_ =	shalt  }
0x59: {  	_ =	shalt  }
0x5a: {  	_ =	shalt  }
0x5b: {  	_ =	shalt  }
0x5c: {  	_ =	shalt  }
0x5d: {  	_ =	shalt  }
0x5e: {  	_ =	shalt  }
0x5f: {  	_ =	shalt  }
0x60: {  	_ =	shalt  }
0x61: {  	_ =	shalt  }
0x62: {  	_ =	shalt  }
0x63: {  	_ =	shalt  }
0x64: {  	_ =	shalt  }
0x65: {  	_ =	shalt  }
0x66: {  	_ =	shalt  }
0x67: {  	_ =	shalt  }
0x68: {  	_ =	shalt  }
0x69: {  	_ =	shalt  }
0x6a: {  	_ =	shalt  }
0x6b: {  	_ =	shalt  }
0x6c: {  	_ =	shalt  }
0x6d: {  	_ =	shalt  }
0x6e: {  	_ =	shalt  }
0x6f: {  	_ =	shalt  }
0x70: {  	_ =	shalt  }
0x71: {  	_ =	shalt  }
0x72: {  	_ =	shalt  }
0x73: {  	_ =	shalt  }
0x74: {  	_ =	shalt  }
0x75: {  	_ =	shalt  }
0x76: {  	_ =	shalt  }
0x77: {  	_ =	shalt  }
0x78: {  	_ =	shalt  }
0x79: {  	_ =	shalt  }
0x7a: {  	_ =	shalt  }
0x7b: {  	_ =	shalt  }
0x7c: {  	_ =	shalt  }
0x7d: {  	_ =	shalt  }
0x7e: {  	_ =	shalt  }
0x7f: {  	_ =	shalt  }
0x80: {  	_ =	shalt  }
0x81: {  	_ =	shalt  }
0x82: {  	_ =	shalt  }
0x83: {  	_ =	shalt  }
0x84: {  	_ =	shalt  }
0x85: {  	_ =	shalt  }
0x86: {  	_ =	shalt  }
0x87: {  	_ =	shalt  }
.Lfunc_end0:
.L_simem_size_0:
called_computation_lowered:
.L_overlay_start_0:
0x88: {  	s2 =	sld [smem:$0x3FD9]  }
0x89: {  	s3 =	sld [smem:$0x3FFE];
	_ =	sdelay $0x1  }
0x8a: {  	s1 =	srdreg.scid  }
0x8b: {  	s0 =	sand.u32 $0x1, s1  }
0x8c: {  	s14 =	sshll.u32 s0, $0xA;
	s2 =	sadd.s32 s3, s2  }
0x8d: {  	s2 =	sadd.s32 s2, s14  }
0x8e: {  	[smem:$0x3FC4] =	sst s2  }
0x8f: {  	_ = 	snop  }
0x90: {  	s2 =	sld [smem:$0x3FD0];
	_ =	sdelay $0x2  }
0x91: {  	s15 =	simm.s32 $0xA;
	s4 =	simm.s32 $0x10  }
0x92: {  	[smem:s4], [sflag:s15] =	dma.local [hbm:s2], $0x1  }
0x93: {  	_ =	swait.eq [sflag:s15], $0x1  }
0x94: {  	[sflag:s15] =	ssyncset.done $0x0  }
0x95: {  	[sflag:s15] =	ssyncadd.s32 $0xFFFFFFFF  }
0x96: {  	s16 =	sld [smem:$0x10];
	(tm) =	ssettm $0x1  }
0x97: {  	s17 =	sld [smem:$0x3FFB];
	_ =	sdelay $0x3  }
0x98: {  	_ =	strace s17  }
0x99: {  	s3 =	sld [smem:$0x3FFC];
	_ =	sdelay $0x3  }
0x9a: {  	_ =	strace s3  }
0x9b: {  	s3 =	sld [smem:$0x3FFD];
	_ =	sdelay $0x3  }
0x9c: {  	_ =	strace s3  }
0x9d: {  	_ =	strace $0x8FFFFFFF  }
0x9e: {  	s18 =	sld [smem:$0x3FDB];
	_ =	sdelay $0x1  }
0x9f: {  	s19 =	simm.s32 $_scs_section_size  }
0xa0: {  	s5 =	simm.s32 $_size__tile_overlayer_lowered;
	s6 =	simm.s32 $_tile_overlayer_lowered  }
0xa1: {  	s22 =	simm.s32 $0x1BFF;
	s21 =	sshll.u32 s6, $0x1;
	s3 =	sadd.s32 s19, s18  }
0xa2: {  	s7 =	simm.s32 $0x0;
	s20 =	sshll.u32 s5, $0x1;
	s5 =	sadd.s32 s21, s3  }
0xa3: {  	[timem:s7], [sflag:s22] =	dma.local [hbm:s5], s20  }
0xa4: {  	_ =	swait.ge [sflag:s22], s20  }
0xa5: {  	s4 =	ssub.s32 $0x0, s20;
	[sflag:s22] =	ssyncset.done $0x0  }
0xa6: {  	[sflag:s22] =	ssyncadd.s32 s4;
	_ =	sdelay $0x1  }
0xa7: {  	s23 =	simm.s32 $0x1B8B  }
0xa8: {  	_ =	swait.ge [sflag:s23], $0x1  }
0xa9: {  	[sflag:s23] =	ssyncset.done $0x0  }
0xaa: {  	s25 =	simm.s32 $0x1B8E;
	s24 =	sld [smem:$0x3FFE];
	[sflag:s23] =	ssyncadd.s32 $0xFFFFFFFF  }
0xab: {  	s26 =	simm.s32 $execute0_lowered;
	[smem:$0x3FD2] =	sst s25  }
0xac: {  	s5 =	sshll.u32 s26, $0x1;
	_ =	strace $0x80000046;
	[dreg:$0x1] =	wrdreg $0xFFFFFFFF  }
0xad: {  	s28 =	simm.s32 $_size_execute0_lowered;
	s3 =	sadd.s32 s3, s5;
	[dreg:$0x0] =	wrdreg $0x0  }
0xae: {  	s5 =	sshll.u32 s28, $0x1;
	[dreg:$0x2] =	wrdreg s3  }
0xaf: {  	[dreg:$0x3] =	wrdreg s5  }
0xb0: {  	[dreg:$0x4] =	wrdreg $0xC0  }
0xb1: {  	_ =	task [dreg:s7], $0x5FFFF  }
0xb2: {  	[dreg:$0x1] =	wrdreg $0xFFFFFFFF  }
0xb3: {  	[dreg:$0x0] =	wrdreg $0x60  }
0xb4: {  	[dreg:$0x2] =	wrdreg s16  }
0xb5: {  	[dreg:$0x3] =	wrdreg s24  }
0xb6: {  	[dreg:$0x4] =	wrdreg $0x142000  }
0xb7: {  	[dreg:$0x5] =	wrdreg $0x9  }
0xb8: {  	_ =	task.clear_ibuf [dreg:s7], $0x6FFFF;
	_ =	strace $0x90000046  }
0xb9: {  	s29 =	simm.s32 $0x9;
	_ =	strace $0x80000048  }
0xba: {  	_ =	swait.ge [sflag:s29], $0x1  }
0xbb: {  	[sflag:s29] =	ssyncadd.s32 $0xFFFFFFFF  }
0xbc: {  	_ =	strace $0x90000048  }
0xbd: {  	_ =	sfence  }
0xbe: {  	s30 =	sld [smem:$0x0];
	_ =	sdelay $0x2  }
0xbf: {  	s31 =	sshll.u32 s1, $0xD;
	s1 =	sshrl.u32 s1, $0x2  }
0xc0: {  	s3 =	sand.u32 $0x4000, s31;
	s1 =	sadd.s32 s1, s30  }
0xc1: {  	s0 =	sor.u32 s3, s0;
	s1 =	sshll.u32 s1, $0x11  }
0xc2: {  	s0 =	sor.u32 s1, s0  }
0xc3: {  	s0 =	sadd.s32 $0x8F2B, s0  }
0xc4: {  	[sflag:s0] =	ssyncadd.remote.s32 $0x1  }
0xc5: {  	_ =	sfence.sel $0xFFFF  }
0xc6: {  	[dreg:$0x0] =	wrdreg $0xFFFFFFFF;
	(pc) =	sbr.abs _section_cstart, $3  }
0xc7: {  	[dreg:$0x1] =	wrdreg $0xFFFFFFFF  }
0xc8: {  	_ =	task.clear_ibuf [dreg:s7], $0x2FFFF;
	_ =	strace $0x9FFFFFFF  }
0xc9: {  	(tm) =	ssettm $0x7FFFFFFF  }
tec
execute0_lowered:
.L_overlay_start_1:
0x0: {  	(tag) =	ssettag $0x1  }
0x1: {  	s4 =	rddreg [dreg:$0x0]  }
0x2: {  	s1 =	srdreg.scid;
	s5 =	rddreg [dreg:$0x1]  }
0x3: {  	s0 =	stileid.u32;
	s2 =	rddreg [dreg:$0x2]  }
0x4: {  	s3 =	simm.s32 $0x0;
	s7 =	simm.s32 $0x1;
	s18 =	simm.s32 $0x8200  }
0x5: {  	s19 =	simm.s32 $0xC200;
	s20 =	simm.s32 $0x3;
	s21 =	simm.s32 $0x10200  }
0x6: {  	s22 =	simm.s32 $0x12200;
	s23 =	simm.s32 $0x2;
	s24 =	simm.s32 $0x80  }
0x7: {  	s25 =	simm.s32 $0x100;
	s16 =	sand.u32 $0x1, s1;
	s1 =	rddreg [dreg:$0x3]  }
0x8: {  	s28 =	simm.s32 $0x0;
	s26 =	sshll.u32 s0, $0x1;
	[smem:$0x7FF] =	sst s3  }
0x9: {  	s30 =	sshll.u32 s0, $0xA;
	s31 =	sshll.u32 s0, $0xD;
	s6 =	sor.u32 s16, s26  }
0xa: {  	p1 =	seq.s32 s16, $0x1;
	_ =	strace $0x80000047;
	s8 =	sshll.u32 s16, $0x10  }
0xb: {  	s29 =	ssub.s32 $0x2, s16;
	s14 =	sadd.s32 s30, s5;
	s17 =	sshll.u32 s16, $0xE  }
0xc: {  	s26 =	simm.s32 $0x180;
	p0 =	seq.s32 s6, $0x0;
	s6 =	sshll.u32 s6, $0x6  }
0xd: {  	s10 =	sshrl.u32 s29, $0x1;
	s11 =	sadd.s32 $0xA600, s14;
	p0 =	por !p0, !p1  }
0xe: {  	s12 =	sadd.s32 $0x1C00, s14;
	s13 =	sadd.s32 $0x6600, s14;
	p0 =	por !p0, !p0  }
0xf: {  	s14 =	sadd.s32 s17, s14;
	s17 =	simm.s32 $0x4200;
	s7 =	simm.s32 @!p0 $0x0  }
0x10: {  	s9 =	sadd.s32 s6, s5;
	s15 =	ssub.s32 s29, s10;
	s7 =	ssub.s32 s0, s7  }
.Ltmp0:
0x11: {  	s5 =	simm.s32 $0x1;
	s7 =	sshll.u32 s7, $0x11;
	(pc) =	sbr.rel .LBB2_1-.Ltmp0, $4  }
0x12: {  	s10 =	sadd.s32 s31, s2;
	s14 =	sadd.s32 $0xE600, s14;
	s7 =	sor.u32 s8, s7  }
0x13: {  	s9 =	sadd.s32 $0x5C00, s9;
	s15 =	smax.u32 s15, $0x1;
	s7 =	sshrl.u32 s7, $0x3  }
0x14: {  	p0 =	sne.s32 s16, $0x0;
	s16 =	simm.s32 $0x200;
	s4 =	sadd.s32 s4, s7  }
0x15: {  	s6 =	sadd.s32 $0x800, s4;
	s7 =	sadd.s32 $0x1000, s4;
	s8 =	sadd.s32 $0x1800, s4  }
.LBB2_5:
0x16: {  	s29 =	sshll.u32 s0, $0x6  }
0x17: {  	s30 =	sshrl.u32 s10, $0x3;
	s29 =	sor.u32 $0x1C03, s29  }
0x18: {  	[spmem:s30], [sflag:s29] =	dma.local [hbm:s11], $0x400  }
0x19: {  	_ =	swait.ge [sflag:s20], $0x400  }
0x1a: {  	[sflag:s20] =	ssyncset.done $0x0  }
0x1b: {  	[sflag:s20] =	ssyncadd.s32 $0xFFFFFC00  }
.LBB2_6:
0x1c: {  	[bflag:$0x0] =	sbarrier.arrive $0xFFFF  }
0x1d: {  	_ =	swait.ge [sflag:s23], $0x4000  }
0x1e: {  	[sflag:s23] =	ssyncset.done $0x0  }
0x1f: {  	[sflag:s23] =	ssyncadd.s32 $0xFFFFC000  }
0x20: {  	[spmem:s2] =	stream.indirect.scatter.add.f32 [tilespmem:s16], [sflag:$0x1], $0x80, s3, s24, $0xb8;
	[tilespmem:$0x16200] =	vst v63  }
0x21: {  	_ =	swait.ge [sflag:s23], $0x4000  }
0x22: {  	[sflag:s23] =	ssyncset.done $0x0  }
0x23: {  	[sflag:s23] =	ssyncadd.s32 $0xFFFFC000  }
0x24: {  	[spmem:s2] =	stream.indirect.scatter.add.f32 [tilespmem:s17], [sflag:$0x1], $0x80, s24, s24, $0xb8;
	[tilespmem:$0x16200] =	vst v63  }
0x25: {  	_ =	swait.ge [sflag:s23], $0x4000  }
0x26: {  	[sflag:s23] =	ssyncset.done $0x0  }
0x27: {  	[sflag:s23] =	ssyncadd.s32 $0xFFFFC000  }
0x28: {  	[spmem:s2] =	stream.indirect.scatter.add.f32 [tilespmem:s18], [sflag:$0x1], $0x80, s25, s24, $0xb8;
	[tilespmem:$0x16200] =	vst v63  }
0x29: {  	_ =	swait.ge [sflag:s23], $0x4000  }
0x2a: {  	[sflag:s23] =	ssyncset.done $0x0  }
0x2b: {  	[sflag:s23] =	ssyncadd.s32 $0xFFFFC000  }
0x2c: {  	[spmem:s2] =	stream.indirect.scatter.add.f32 [tilespmem:s19], [sflag:$0x1], $0x80, s26, s24, $0xb8;
	[tilespmem:$0x16200] =	vst v63  }
0x2d: {  	_ =	swait.ge [sflag:s5], $0x4000  }
0x2e: {  	[sflag:s5] =	ssyncset.done $0x0  }
0x2f: {  	[sflag:s5] =	ssyncadd.s32 $0xFFFFC000  }
0x30: {  	_ =	swait.ge [sflag:s5], $0x4000  }
0x31: {  	[sflag:s5] =	ssyncset.done $0x0  }
0x32: {  	[sflag:s5] =	ssyncadd.s32 $0xFFFFC000  }
0x33: {  	_ =	swait.ge [sflag:s5], $0x4000  }
0x34: {  	[sflag:s5] =	ssyncset.done $0x0  }
0x35: {  	[sflag:s5] =	ssyncadd.s32 $0xFFFFC000  }
0x36: {  	_ =	swait.ge [sflag:s5], $0x4000  }
0x37: {  	s29 =	sshll.u32 s0, $0x6;
	s28 =	sadd.s32 $0x1, s28;
	[sflag:s5] =	ssyncset.done $0x0  }
0x38: {  	s30 =	sshrl.u32 s10, $0x3;
	p1 =	sne.s32 s28, s15;
	[sflag:s5] =	ssyncadd.s32 $0xFFFFC000  }
.Ltmp1:
0x39: {  	s29 =	sor.u32 $0x1C03, s29;
	[bflag:$0x0] =	sbarrier.arrive $0xFFFF;
	(pc) =	sbr.rel @!p1 .LBB2_7-.Ltmp1, $4  }
0x3a: {  	[hbm:s14], [sflag:s29] =	dma.local [spmem:s30], $0x400  }
0x3b: {  	_ =	swait.ge [sflag:s20], $0x400  }
0x3c: {  	[sflag:s20] =	ssyncset.done $0x0  }
0x3d: {  	[sflag:s20] =	ssyncadd.s32 $0xFFFFFC00  }
.LBB2_1:
0x3e: {  	[tilespmem:s16], [sflag:$0x2] =	stream.linear.gather [hbm4b:s4+s3], $0x4000, $0x38;
	[tilespmem:$0x16200] =	vst v63  }
0x3f: {  	_ = 	snop  }
0x40: {  	[tilespmem:s17], [sflag:$0x2] =	stream.linear.gather [hbm4b:s6+s3], $0x4000, $0x38;
	[tilespmem:$0x16200] =	vst v63  }
0x41: {  	_ = 	snop  }
0x42: {  	[tilespmem:s18], [sflag:$0x2] =	stream.linear.gather [hbm4b:s7+s3], $0x4000, $0x38;
	[tilespmem:$0x16200] =	vst v63  }
0x43: {  	_ = 	snop  }
0x44: {  	[tilespmem:s19], [sflag:$0x2] =	stream.linear.gather [hbm4b:s8+s3], $0x4000, $0x38;
	[tilespmem:$0x16200] =	vst v63  }
.Ltmp2:
0x45: {  	_ = 	snop;
	(pc) =	sbr.rel @p0 .LBB2_5-.Ltmp2, $4  }
0x46: {  	[tilespmem:s3], [sflag:$0x3] =	stream.linear.gather [hbm4b:s9+s3], $0x200, $0x38;
	[tilespmem:$0x16200] =	vst v63  }
0x47: {  	_ =	swait.ge [sflag:s20], $0x200  }
0x48: {  	[sflag:s20] =	ssyncset.done $0x0  }
0x49: {  	[sflag:s20] =	ssyncadd.s32 $0xFFFFFE00  }
0x4a: {  	s29 =	simm.s32 $0x0  }
0x4b: {  	[tilespmem:s21], [sflag:$0x3] =	stream.linear.gather [hbm4b:s12+s29], $0x2000, $0x38;
	[tilespmem:$0x16200] =	vst v63  }
0x4c: {  	_ =	swait.ge [sflag:s20], $0x2000  }
0x4d: {  	[sflag:s20] =	ssyncset.done $0x0  }
0x4e: {  	[sflag:s20] =	ssyncadd.s32 $0xFFFFE000  }
0x4f: {  	[tilespmem:s22], [sflag:$0x3] =	stream.linear.gather [hbm4b:s13+s29], $0x2000, $0x38;
	[tilespmem:$0x16200] =	vst v63  }
0x50: {  	_ =	swait.ge [sflag:s20], $0x2000  }
0x51: {  	[sflag:s20] =	ssyncset.done $0x0  }
0x52: {  	s29 =	simm.s32 $0x0;
	[sflag:s20] =	ssyncadd.s32 $0xFFFFE000  }
0x53: {  	v0 =	vld [tilespmem:s29+$0x10200]  }
0x54: {  	v1 =	vld [tilespmem:s29+$0x10210]  }
0x55: {  	v2 =	vld [tilespmem:s29+$0x10220]  }
0x56: {  	v3 =	vld [tilespmem:s29+$0x10230]  }
0x57: {  	v4 =	vld [tilespmem:s29+$0x12200]  }
0x58: {  	v0 =	vmul.f32 $9.900000000e+01, v0  }
0x59: {  	v1 =	vmul.f32 $9.900000000e+01, v1  }
0x5a: {  	s30 =	simm.s32 $0x80;
	v2 =	vmul.f32 $9.900000000e+01, v2;
	[tilespmem:s29+$0x10200] =	vst v0  }
0x5b: {  	v5 =	vmul.f32 $9.900000000e+01, v3;
	v0 =	vld [tilespmem:s30+$0x10200];
	[tilespmem:s29+$0x10210] =	vst v1  }
0x5c: {  	v3 =	vmul.f32 $9.900000000e+01, v4;
	v1 =	vld [tilespmem:s30+$0x10210];
	[tilespmem:s29+$0x10220] =	vst v2  }
0x5d: {  	s31 =	simm.s32 $0x400;
	v2 =	vld [tilespmem:s30+$0x10220];
	[tilespmem:s29+$0x10230] =	vst v5  }
.LBB2_3:
0x5e: {  	p1 =	sne.s32 s31, $0x7E00;
	v4 =	vld [tilespmem:s30+$0x10230];
	[tilespmem:s29+$0x10240] =	vst v3;
	s29 =	smov.u32 s30  }
0x5f: {  	v3 =	vld [tilespmem:s29+$0x12200]  }
0x60: {  	v0 =	vmul.f32 $9.900000000e+01, v0  }
.Ltmp3:
0x61: {  	v1 =	vmul.f32 $9.900000000e+01, v1;
	(pc) =	sbr.rel @p1 .LBB2_3-.Ltmp3, $4  }
0x62: {  	s30 =	sshra.s32 s31, $0x2;
	[tilespmem:s29+$0x10200] =	vst v0;
	v2 =	vmul.f32 $9.900000000e+01, v2  }
0x63: {  	v0 =	vld [tilespmem:s30+$0x10200];
	[tilespmem:s29+$0x10210] =	vst v1;
	v4 =	vmul.f32 $9.900000000e+01, v4  }
0x64: {  	v1 =	vld [tilespmem:s30+$0x10210];
	[tilespmem:s29+$0x10220] =	vst v2;
	v3 =	vmul.f32 $9.900000000e+01, v3  }
0x65: {  	s31 =	sadd.s32 $0x200, s31;
	v2 =	vld [tilespmem:s30+$0x10220];
	[tilespmem:s29+$0x10230] =	vst v4  }
0x66: {  	v4 =	vld [tilespmem:s30+$0x10230];
	[tilespmem:s29+$0x10240] =	vst v3  }
0x67: {  	v3 =	vld [tilespmem:s30+$0x12200]  }
0x68: {  	v0 =	vmul.f32 $9.900000000e+01, v0  }
0x69: {  	v1 =	vmul.f32 $9.900000000e+01, v1  }
0x6a: {  	[tilespmem:s30+$0x10200] =	vst v0;
	v61 =	vmul.f32 $9.900000000e+01, v2  }
0x6b: {  	[tilespmem:s30+$0x10210] =	vst v1;
	v62 =	vmul.f32 $9.900000000e+01, v4  }
0x6c: {  	[tilespmem:s30+$0x10220] =	vst v61;
	v63 =	vmul.f32 $9.900000000e+01, v3  }
0x6d: {  	[tilespmem:s30+$0x10230] =	vst v62  }
.Ltmp4:
0x6e: {  	[tilespmem:s30+$0x10240] =	vst v63;
	(pc) =	sbr.rel .LBB2_6-.Ltmp4, $4  }
0x6f: {  	[spmem:s10] =	stream.linear.scatter [tilespmem:s21], [sflag:$0x3], $0x2000, $0x38;
	[tilespmem:$0x16200] =	vst v63  }
0x70: {  	_ =	swait.ge [sflag:s20], $0x2000  }
0x71: {  	[sflag:s20] =	ssyncset.done $0x0  }
0x72: {  	[sflag:s20] =	ssyncadd.s32 $0xFFFFE000  }
.LBB2_7:
0x73: {  	_ =	sfence.sel $0x180000  }
0x74: {  	[bflag:$0x0] =	sbarrier.arrive $0xFFFF  }
0x75: {  	p0 =	sne.s32 s0, $0x0;
	_ =	strace $0x90000047  }
0x76: {  	s0 =	sadd.s32 @!p0 $0x100000, s1;
	[bflag:$0x2] =	sbarrier.arrive $0xFFFF  }
0x77: {  	[sflag:s0] =	ssyncadd.tile.s32 @!p0 $0x1;
	_ =	shalt  }
.Lfunc_end2:
_tile_overlayer_lowered:
.L_overlay_start_2:
0x78: {  	(tag) =	ssettag $0x2  }
0x79: {  	s0 =	rddreg [dreg:$0x0];
	s2 =	stileid.u32  }
0x7a: {  	s1 =	rddreg [dreg:$0x1];
	p0 =	sne.s32 s2, $0x0  }
0x7b: {  	s3 =	rddreg [dreg:$0x2];
	[bflag:$0x3] =	sbarrier.arrive $0xFFFF;
	s2 =	simm.s32 @!p0 $0x1C03  }
0x7c: {  	[timem:s3], [sflag:s2] =	dma.local @!p0 [hbm:s0], s1  }
0x7d: {  	s0 =	simm.s32 @!p0 $0x3  }
0x7e: {  	_ =	swait.ge @!p0 [sflag:s0], s1  }
0x7f: {  	s1 =	ssub.s32 @!p0 $0x0, s1;
	[sflag:s0] =	ssyncset.done @!p0 $0x0  }
0x80: {  	[sflag:s0] =	ssyncadd.s32 @!p0 s1  }
0x81: {  	[bflag:$0x3] =	sbarrier.arrive $0xFFFF  }
0x82: {  	_ =	shalt  }

// kernel: kernel.9.cloned.1.call-start
scs
__scs_entry_jumppad:
0x0: {  	(pc) =	sbr.rel $0x88, $3  }
0x1: {  	(tag) =	ssettag $0x0;
	lr =	simm.s32 $0x1  }
0x2: {  	[smem:$0x3F9D] =	sst lr;
	_ =	strace $0xD0000000  }
0x3: {  	_ = 	snop  }
0x4: {  	_ = 	snop  }
0x5: {  	_ = 	snop  }
0x6: {  	_ = 	snop  }
0x7: {  	_ = 	snop  }
__scs_overlays_trampoline_lowered:
0x8: {  	[smem:$0x3FAC] =	sst s0  }
0x9: {  	[smem:$0x3FAD] =	sst s1  }
0xa: {  	[smem:$0x3FAE] =	sst s2  }
0xb: {  	[smem:$0x3FAF] =	sst s3  }
0xc: {  	[smem:$0x3FB0] =	sst s4  }
0xd: {  	[smem:$0x3FB1] =	sst s5  }
0xe: {  	[smem:$0x3FB2] =	sst s6  }
0xf: {  	[smem:$0x3FB3] =	sst s7  }
0x10: {  	[smem:$0x3FB4] =	sst s8  }
0x11: {  	[smem:$0x3FB5] =	sst s9;
	s0 =	simm.s32 @!p0 $0x0  }
0x12: {  	s1 =	sld [smem:$0x3F9B];
	s0 =	simm.s32 @p0 $0x1  }
0x13: {  	[smem:$0x3FB6] =	sst s0;
	s0 =	simm.s32 @!p1 $0x0  }
0x14: {  	s2 =	sld [smem:$0x3F9A];
	s0 =	simm.s32 @p1 $0x1  }
0x15: {  	[smem:$0x3FB7] =	sst s0;
	s0 =	simm.s32 @!p2 $0x0  }
0x16: {  	s3 =	sld [smem:$0x3FDB];
	s0 =	simm.s32 @p2 $0x1  }
0x17: {  	s4 =	simm.s32 $0x1BF5;
	[smem:$0x3FB9] =	sst s0  }
0x18: {  	s0 =	sld [smem:$0x3F9C];
	_ =	swait.ge [sflag:s4], $0x0  }
0x19: {  	s7 =	sld [smem:$0x3F9D]  }
0x1a: {  	s8 =	sadd.s32 $0xFFFFE003, lr  }
0x1b: {  	s9 =	sadd.s32 $0xFFFFFEF7, lr;
	s5 =	simm.s32 $0xFFFFFFFF;
	p2 =	slt.u32 s8, $0xFFFFF086  }
0x1c: {  	p1 =	slt.u32 s9, $0xF7A;
	s5 =	simm.s32 @!p2 $0x0  }
0x1d: {  	s5 =	simm.s32 @p1 $0x1;
	p0 =	seq.s32 s7, s2  }
0x1e: {  	s7 =	smul.u32 @!p0 $0xF7A, s2;
	p2 =	seq.s32 @!p0 s5, $0x0  }
0x1f: {  	s9 =	smul.u32 $0xF7A, s1;
	s8 =	simm.s32 @!p0 $0x1BF5;
	p2 =	por !p2, p0  }
0x20: {  	[sflag:s8] =	ssyncset.s32 @!p0 $0xFFFFF086;
	s6 =	sadd.s32 @!p0 s3, s7;
	s7 =	simm.s32 @!p0 $0x108  }
0x21: {  	s3 =	sadd.s32 s3, s9;
	s6 =	sadd.s32 @!p0 $0x88, s6;
	s7 =	simm.s32 @p2 $0x1082  }
0x22: {  	[simem:s7], [sflag:s8] =	dma.local @!p0 [hbm:s6], $0xF7A  }
0x23: {  	s9 =	sor.u32 $0xD0000000, s2;
	s6 =	simm.s32 $0x108;
	_ =	swait.ge @!p0 [sflag:s8], $0x0  }
0x24: {  	s3 =	sadd.s32 $0x88, s3;
	s6 =	simm.s32 @!p1 $0x1082;
	[sflag:s4] =	ssyncset.s32 $0xFFFFF086  }
0x25: {  	[simem:s6], [sflag:s4] =	dma.local [hbm:s3], $0xF7A  }
0x26: {  	[smem:$0x3F9D] =	sst s1;
	(tag) =	ssettag s2;
	_ =	strace s9  }
0x27: {  	s1 =	sld [smem:$0x3FAD]  }
0x28: {  	s2 =	sld [smem:$0x3FAE]  }
0x29: {  	s4 =	sld [smem:$0x3FB0]  }
0x2a: {  	p0 =	seq.s32 s5, $0x0;
	s5 =	sld [smem:$0x3FB1]  }
0x2b: {  	s6 =	sld [smem:$0x3FB2]  }
0x2c: {  	s7 =	sld [smem:$0x3FB3]  }
0x2d: {  	s3 =	simm.s32 $0x108;
	s8 =	sld [smem:$0x3FB4]  }
0x2e: {  	s3 =	simm.s32 @!p0 $0x1082;
	s9 =	sld [smem:$0x3FB5]  }
0x2f: {  	lr =	sadd.s32 s0, s3;
	s0 =	sld [smem:$0x3FAC]  }
0x30: {  	s3 =	sld [smem:$0x3FAF]  }
0x31: {  	[smem:$0x3FB8] =	sst s10  }
0x32: {  	s10 =	sld [smem:$0x3FB6];
	_ =	sdelay $0x3  }
0x33: {  	p0 =	seq.s32 s10, $0x1;
	s10 =	sld [smem:$0x3FB8];
	_ =	sdelay $0x3  }
0x34: {  	[smem:$0x3FB8] =	sst s10  }
0x35: {  	s10 =	sld [smem:$0x3FB7];
	_ =	sdelay $0x3  }
0x36: {  	p1 =	seq.s32 s10, $0x1;
	s10 =	sld [smem:$0x3FB8];
	_ =	sdelay $0x3  }
0x37: {  	[smem:$0x3FB8] =	sst s10  }
0x38: {  	s10 =	sld [smem:$0x3FB9]  }
0x39: {  	_ = 	snop;
	(pc) =	sbr.ind lr, $3  }
0x3a: {  	_ = 	snop  }
0x3b: {  	_ = 	snop  }
0x3c: {  	p2 =	seq.s32 s10, $0x1;
	s10 =	sld [smem:$0x3FB8]  }
0x3d: {  	_ =	shalt  }
0x3e: {  	_ =	shalt  }
0x3f: {  	_ =	shalt  }
0x40: {  	_ =	shalt  }
0x41: {  	_ =	shalt  }
0x42: {  	_ =	shalt  }
0x43: {  	_ =	shalt  }
0x44: {  	_ =	shalt  }
0x45: {  	_ =	shalt  }
0x46: {  	_ =	shalt  }
0x47: {  	_ =	shalt  }
0x48: {  	_ =	shalt  }
0x49: {  	_ =	shalt  }
0x4a: {  	_ =	shalt  }
0x4b: {  	_ =	shalt  }
0x4c: {  	_ =	shalt  }
0x4d: {  	_ =	shalt  }
0x4e: {  	_ =	shalt  }
0x4f: {  	_ =	shalt  }
0x50: {  	_ =	shalt  }
0x51: {  	_ =	shalt  }
0x52: {  	_ =	shalt  }
0x53: {  	_ =	shalt  }
0x54: {  	_ =	shalt  }
0x55: {  	_ =	shalt  }
0x56: {  	_ =	shalt  }
0x57: {  	_ =	shalt  }
0x58: {  	_ =	shalt  }
0x59: {  	_ =	shalt  }
0x5a: {  	_ =	shalt  }
0x5b: {  	_ =	shalt  }
0x5c: {  	_ =	shalt  }
0x5d: {  	_ =	shalt  }
0x5e: {  	_ =	shalt  }
0x5f: {  	_ =	shalt  }
0x60: {  	_ =	shalt  }
0x61: {  	_ =	shalt  }
0x62: {  	_ =	shalt  }
0x63: {  	_ =	shalt  }
0x64: {  	_ =	shalt  }
0x65: {  	_ =	shalt  }
0x66: {  	_ =	shalt  }
0x67: {  	_ =	shalt  }
0x68: {  	_ =	shalt  }
0x69: {  	_ =	shalt  }
0x6a: {  	_ =	shalt  }
0x6b: {  	_ =	shalt  }
0x6c: {  	_ =	shalt  }
0x6d: {  	_ =	shalt  }
0x6e: {  	_ =	shalt  }
0x6f: {  	_ =	shalt  }
0x70: {  	_ =	shalt  }
0x71: {  	_ =	shalt  }
0x72: {  	_ =	shalt  }
0x73: {  	_ =	shalt  }
0x74: {  	_ =	shalt  }
0x75: {  	_ =	shalt  }
0x76: {  	_ =	shalt  }
0x77: {  	_ =	shalt  }
0x78: {  	_ =	shalt  }
0x79: {  	_ =	shalt  }
0x7a: {  	_ =	shalt  }
0x7b: {  	_ =	shalt  }
0x7c: {  	_ =	shalt  }
0x7d: {  	_ =	shalt  }
0x7e: {  	_ =	shalt  }
0x7f: {  	_ =	shalt  }
0x80: {  	_ =	shalt  }
0x81: {  	_ =	shalt  }
0x82: {  	_ =	shalt  }
0x83: {  	_ =	shalt  }
0x84: {  	_ =	shalt  }
0x85: {  	_ =	shalt  }
0x86: {  	_ =	shalt  }
0x87: {  	_ =	shalt  }
.Lfunc_end0:
.L_simem_size_0:
called_computation.1_lowered:
.L_overlay_start_0:
0x88: {  	s2 =	sld [smem:$0x3FD9]  }
0x89: {  	s3 =	sld [smem:$0x3FFE];
	_ =	sdelay $0x1  }
0x8a: {  	s1 =	srdreg.scid  }
0x8b: {  	s0 =	sand.u32 $0x1, s1  }
0x8c: {  	s14 =	sshll.u32 s0, $0xA;
	s2 =	sadd.s32 s3, s2  }
0x8d: {  	s2 =	sadd.s32 s2, s14  }
0x8e: {  	[smem:$0x3FC4] =	sst s2  }
0x8f: {  	_ = 	snop  }
0x90: {  	s2 =	sld [smem:$0x3FD0];
	_ =	sdelay $0x2  }
0x91: {  	s15 =	simm.s32 $0xA;
	s4 =	simm.s32 $0x10  }
0x92: {  	[smem:s4], [sflag:s15] =	dma.local [hbm:s2], $0x1  }
0x93: {  	_ =	swait.eq [sflag:s15], $0x1  }
0x94: {  	[sflag:s15] =	ssyncset.done $0x0  }
0x95: {  	[sflag:s15] =	ssyncadd.s32 $0xFFFFFFFF  }
0x96: {  	s16 =	sld [smem:$0x10];
	(tm) =	ssettm $0x1  }
0x97: {  	s17 =	sld [smem:$0x3FFB];
	_ =	sdelay $0x3  }
0x98: {  	_ =	strace s17  }
0x99: {  	s3 =	sld [smem:$0x3FFC];
	_ =	sdelay $0x3  }
0x9a: {  	_ =	strace s3  }
0x9b: {  	s3 =	sld [smem:$0x3FFD];
	_ =	sdelay $0x3  }
0x9c: {  	_ =	strace s3  }
0x9d: {  	_ =	strace $0x8FFFFFFF  }
0x9e: {  	s18 =	sld [smem:$0x3FDB];
	_ =	sdelay $0x1  }
0x9f: {  	s19 =	simm.s32 $_scs_section_size  }
0xa0: {  	s5 =	simm.s32 $_size__tile_overlayer_lowered;
	s6 =	simm.s32 $_tile_overlayer_lowered  }
0xa1: {  	s22 =	simm.s32 $0x1BFF;
	s21 =	sshll.u32 s6, $0x1;
	s3 =	sadd.s32 s19, s18  }
0xa2: {  	s7 =	simm.s32 $0x0;
	s20 =	sshll.u32 s5, $0x1;
	s5 =	sadd.s32 s21, s3  }
0xa3: {  	[timem:s7], [sflag:s22] =	dma.local [hbm:s5], s20  }
0xa4: {  	_ =	swait.ge [sflag:s22], s20  }
0xa5: {  	s4 =	ssub.s32 $0x0, s20;
	[sflag:s22] =	ssyncset.done $0x0  }
0xa6: {  	[sflag:s22] =	ssyncadd.s32 s4;
	_ =	sdelay $0x1  }
0xa7: {  	s23 =	simm.s32 $0x1B8B  }
0xa8: {  	_ =	swait.ge [sflag:s23], $0x1  }
0xa9: {  	[sflag:s23] =	ssyncset.done $0x0  }
0xaa: {  	s25 =	simm.s32 $0x1B8E;
	s24 =	sld [smem:$0x3FFE];
	[sflag:s23] =	ssyncadd.s32 $0xFFFFFFFF  }
0xab: {  	s26 =	simm.s32 $execute0_lowered;
	[smem:$0x3FD2] =	sst s25  }
0xac: {  	s5 =	sshll.u32 s26, $0x1;
	_ =	strace $0x80000049;
	[dreg:$0x1] =	wrdreg $0xFFFFFFFF  }
0xad: {  	s28 =	simm.s32 $_size_execute0_lowered;
	s3 =	sadd.s32 s3, s5;
	[dreg:$0x0] =	wrdreg $0x0  }
0xae: {  	s5 =	sshll.u32 s28, $0x1;
	[dreg:$0x2] =	wrdreg s3  }
0xaf: {  	[dreg:$0x3] =	wrdreg s5  }
0xb0: {  	[dreg:$0x4] =	wrdreg $0xC0  }
0xb1: {  	_ =	task [dreg:s7], $0x5FFFF  }
0xb2: {  	[dreg:$0x1] =	wrdreg $0xFFFFFFFF  }
0xb3: {  	[dreg:$0x0] =	wrdreg $0x60  }
0xb4: {  	[dreg:$0x2] =	wrdreg s24  }
0xb5: {  	[dreg:$0x3] =	wrdreg s16  }
0xb6: {  	[dreg:$0x4] =	wrdreg $0x183800  }
0xb7: {  	[dreg:$0x5] =	wrdreg $0x9  }
0xb8: {  	_ =	task.clear_ibuf [dreg:s7], $0x6FFFF;
	_ =	strace $0x90000049  }
0xb9: {  	s29 =	simm.s32 $0x9;
	_ =	strace $0x8000004B  }
0xba: {  	_ =	swait.ge [sflag:s29], $0x1  }
0xbb: {  	[sflag:s29] =	ssyncadd.s32 $0xFFFFFFFF  }
0xbc: {  	_ =	strace $0x9000004B  }
0xbd: {  	_ =	sfence  }
0xbe: {  	s30 =	sld [smem:$0x0];
	_ =	sdelay $0x2  }
0xbf: {  	s31 =	sshll.u32 s1, $0xD;
	s1 =	sshrl.u32 s1, $0x2  }
0xc0: {  	s3 =	sand.u32 $0x4000, s31;
	s1 =	sadd.s32 s1, s30  }
0xc1: {  	s0 =	sor.u32 s3, s0;
	s1 =	sshll.u32 s1, $0x11  }
0xc2: {  	s0 =	sor.u32 s1, s0  }
0xc3: {  	s0 =	sadd.s32 $0x8F2B, s0  }
0xc4: {  	[sflag:s0] =	ssyncadd.remote.s32 $0x1  }
0xc5: {  	_ =	sfence.sel $0xFFFF  }
0xc6: {  	[dreg:$0x0] =	wrdreg $0xFFFFFFFF;
	(pc) =	sbr.abs _section_cstart, $3  }
0xc7: {  	[dreg:$0x1] =	wrdreg $0xFFFFFFFF  }
0xc8: {  	_ =	task.clear_ibuf [dreg:s7], $0x2FFFF;
	_ =	strace $0x9FFFFFFF  }
0xc9: {  	(tm) =	ssettm $0x7FFFFFFF  }
tec
execute0_lowered:
.L_overlay_start_1:
0x0: {  	(tag) =	ssettag $0x1  }
0x1: {  	s0 =	rddreg [dreg:$0x0]  }
0x2: {  	s1 =	rddreg [dreg:$0x1]  }
0x3: {  	s2 =	rddreg [dreg:$0x2]  }
0x4: {  	s4 =	srdreg.scid;
	s12 =	stileid.u32;
	s3 =	simm.s32 $0x0  }
0x5: {  	s10 =	simm.s32 $0x1;
	s17 =	simm.s32 $0x3;
	s28 =	simm.s32 $0x100  }
0x6: {  	s29 =	simm.s32 $0x8200;
	s30 =	simm.s32 $0x180;
	s31 =	simm.s32 $0xC200  }
0x7: {  	s6 =	sand.u32 $0x1, s4;
	s22 =	sshll.u32 s12, $0x1;
	[smem:$0x7FF] =	sst s3  }
0x8: {  	s4 =	sadd.s32 $0x6400, s0;
	s8 =	sshll.u32 s12, $0xA;
	s25 =	sshll.u32 s12, $0xD  }
0x9: {  	s5 =	sor.u32 s6, s22;
	_ =	strace $0x8000004A;
	p1 =	seq.s32 s6, $0x1  }
0xa: {  	s8 =	sadd.s32 s8, s0;
	s9 =	ssub.s32 $0x2, s6;
	s24 =	sshll.u32 s6, $0x10  }
0xb: {  	s22 =	simm.s32 $0x18280;
	s7 =	sshll.u32 s5, $0x6;
	p0 =	seq.s32 s5, $0x0  }
0xc: {  	s5 =	sshll.u32 s5, $0x5;
	s11 =	sshrl.u32 s9, $0x1;
	s6 =	sadd.s32 $0xE600, s8  }
0xd: {  	s7 =	sadd.s32 s7, s0;
	p0 =	por !p0, !p1;
	s0 =	sadd.s32 s5, s0  }
0xe: {  	s16 =	ssub.s32 s9, s11;
	p0 =	por !p0, !p0;
	s5 =	sadd.s32 $0x5C00, s7  }
0xf: {  	s7 =	sadd.s32 $0x12600, s8;
	s8 =	sadd.s32 $0x1C00, s8;
	s10 =	simm.s32 @!p0 $0x0  }
0x10: {  	s16 =	smax.u32 s16, $0x1;
	s23 =	ssub.s32 s12, s10;
	s10 =	sadd.s32 s25, s2  }
0x11: {  	s12 =	simm.s32 $0x1;
	s25 =	simm.s32 $0x200;
	s9 =	sshll.u32 s23, $0x11  }
0x12: {  	s23 =	simm.s32 $0x16280;
	s9 =	sor.u32 s24, s9;
	s24 =	simm.s32 $0x80  }
0x13: {  	s26 =	sshrl.u32 s9, $0x3;
	s9 =	sadd.s32 $0x6600, s0;
	s0 =	simm.s32 $0x2  }
0x14: {  	s11 =	sadd.s32 s1, s26;
	s26 =	simm.s32 $0x4200;
	s1 =	simm.s32 $0x0  }
0x15: {  	s13 =	sadd.s32 $0x800, s11;
	s14 =	sadd.s32 $0x1000, s11;
	s15 =	sadd.s32 $0x1800, s11  }
.LBB2_1:
0x16: {  	[tilespmem:s3], [sflag:$0x3] =	stream.linear.gather [hbm4b:s5+s3], $0x200, $0x38;
	[tilespmem:$0x1A380] =	vst v63  }
0x17: {  	_ =	swait.ge [sflag:s17], $0x200  }
0x18: {  	[sflag:s17] =	ssyncset.done $0x0  }
0x19: {  	s18 =	simm.s32 $0x10200;
	[sflag:s17] =	ssyncadd.s32 $0xFFFFFE00  }
0x1a: {  	[tilespmem:s18], [sflag:$0x3] =	stream.linear.gather [hbm4b:s6+s3], $0x2000, $0x38;
	[tilespmem:$0x1A380] =	vst v63  }
0x1b: {  	_ =	swait.ge [sflag:s17], $0x2000  }
0x1c: {  	[sflag:s17] =	ssyncset.done $0x0  }
0x1d: {  	s21 =	simm.s32 $0x12200;
	[sflag:s17] =	ssyncadd.s32 $0xFFFFE000  }
0x1e: {  	[tilespmem:s21], [sflag:$0x3] =	stream.linear.gather [hbm4b:s7+s3], $0x2000, $0x38;
	[tilespmem:$0x1A380] =	vst v63  }
0x1f: {  	_ =	swait.ge [sflag:s17], $0x2000  }
0x20: {  	[sflag:s17] =	ssyncset.done $0x0  }
0x21: {  	s19 =	simm.s32 $0x14200;
	[sflag:s17] =	ssyncadd.s32 $0xFFFFE000  }
0x22: {  	[tilespmem:s19], [sflag:$0x3] =	stream.linear.gather [hbm4b:s8+s3], $0x2000, $0x38;
	[tilespmem:$0x1A380] =	vst v63  }
0x23: {  	_ =	swait.ge [sflag:s17], $0x2000  }
0x24: {  	[sflag:s17] =	ssyncset.done $0x0  }
0x25: {  	s20 =	simm.s32 $0x16200;
	[sflag:s17] =	ssyncadd.s32 $0xFFFFE000  }
0x26: {  	[tilespmem:s20], [sflag:$0x3] =	stream.linear.gather [hbm4b:s4+s3], $0x80, $0x38;
	[tilespmem:$0x1A380] =	vst v63  }
0x27: {  	_ =	swait.ge [sflag:s17], $0x80  }
0x28: {  	[sflag:s17] =	ssyncset.done $0x0  }
0x29: {  	[sflag:s17] =	ssyncadd.s32 $0xFFFFFF80  }
0x2a: {  	v0 =	vld [tilespmem:$0x16200];
	_ =	sdelay $0x3  }
0x2b: {  	s21 =	simm.s32 $0x0  }
0x2c: {  	v2 =	vld [tilespmem:s21+$0x10240];
	v1 =	vadd.f32 $1.023999970e-02, v0  }
0x2d: {  	v3 =	vld [tilespmem:s21+$0x12240]  }
0x2e: {  	(erf) = vrcp.f32 v1;
	_ =	sdelay $0x3  }
0x2f: {  	v7 =	vadd.f32 v3, v2;
	_ =	sdelay $0x1  }
0x30: {  	v1 =	vmul.f32 $9.999999770e-03, v7;
	_ =	sdelay $0x1  }
0x31: {  	v1 =	vadd.f32 $9.999999740e-06, v1  }
0x32: {  	s20 =	simm.s32 $0x80;
	v2 =	vpop (erf)  }
0x33: {  	v4 =	vld [tilespmem:s20+$0x12240];
	v1 =	vmul.f32 v1, v2  }
0x34: {  	v5 =	vld [tilespmem:s21+$0x14210]  }
0x35: {  	v3 =	vld [tilespmem:s20+$0x10240];
	v1 =	vmul.f32 v1, v0  }
0x36: {  	v6 =	vld [tilespmem:s21+$0x14200]  }
0x37: {  	v8 =	vld [tilespmem:s21+$0x10220];
	(erf) = vrcp.f32 v1  }
0x38: {  	v9 =	vld [tilespmem:s21+$0x10200]  }
0x39: {  	v10 =	vld [tilespmem:s21+$0x12200]  }
0x3a: {  	v11 =	vld [tilespmem:s21+$0x10210];
	v1 =	vadd.f32 v4, v3  }
0x3b: {  	v12 =	vld [tilespmem:s21+$0x12210]  }
0x3c: {  	v13 =	vld [tilespmem:s21+$0x10230];
	v14 =	vmul.f32 $9.999999770e-03, v1  }
0x3d: {  	s19 =	simm.s32 $0x100;
	v3 =	vld [tilespmem:s21+$0x12220]  }
0x3e: {  	v15 =	vld [tilespmem:s19+$0x12240];
	v14 =	vadd.f32 $9.999999740e-06, v14  }
0x3f: {  	v18 =	vld [tilespmem:s21+$0x12230]  }
0x40: {  	v23 =	vld [tilespmem:s21+$0x14230];
	v14 =	vmul.f32 v14, v2;
	v4 =	vpop (erf)  }
0x41: {  	v9 =	vadd.f32 v10, v9;
	v10 =	vld [tilespmem:s19+$0x10240];
	v4 =	vmul.f32 $9.999999770e-03, v4  }
0x42: {  	v8 =	vadd.f32 v3, v8;
	v3 =	vld [tilespmem:s21+$0x14220];
	v14 =	vmul.f32 v14, v0  }
0x43: {  	v11 =	vadd.f32 v12, v11;
	v12 =	vld [tilespmem:s20+$0x14220];
	v16 =	vmul.f32 v4, v9  }
0x44: {  	v6 =	vmul.f32 $9.900000000e+01, v6;
	(erf) = vrcp.f32 v14  }
0x45: {  	v17 =	vld [tilespmem:s20+$0x14230];
	v13 =	vadd.f32 v18, v13;
	v19 =	vmul.f32 v4, v11;
	[tilespmem:s21+$0x16280] =	vst v16  }
0x46: {  	v5 =	vmul.f32 $9.900000000e+01, v5;
	v23 =	vmul.f32 $9.900000000e+01, v23;
	v6 =	vsub.f32 v9, v6;
	v20 =	vld [tilespmem:s20+$0x14210]  }
0x47: {  	v25 =	vmul.f32 $9.900000000e+01, v3;
	v3 =	vadd.f32 v15, v10;
	v14 =	vmul.f32 v8, v4;
	v21 =	vld [tilespmem:s20+$0x14200];
	[tilespmem:s21+$0x16290] =	vst v19  }
0x48: {  	v12 =	vmul.f32 $9.900000000e+01, v12;
	v24 =	vmul.f32 v13, v4;
	v22 =	vld [tilespmem:s20+$0x10220]  }
0x49: {  	v5 =	vsub.f32 v11, v5;
	v11 =	vmul.f32 $9.999999770e-03, v3;
	v6 =	vmul.f32 v16, v6;
	v18 =	vld [tilespmem:s20+$0x10200];
	[tilespmem:s21+$0x162A0] =	vst v14  }
0x4a: {  	v4 =	vimm.f32 $0.0e+00;
	v8 =	vsub.f32 v8, v25;
	v13 =	vsub.f32 v13, v23;
	v9 =	vld [tilespmem:s20+$0x12200]  }
0x4b: {  	v5 =	vmul.f32 v5, v19;
	v16 =	vmul.f32 v16, v16;
	v6 =	vadd.f32 v6, v4;
	v26 =	vld [tilespmem:s20+$0x10210];
	[tilespmem:s21+$0x162B0] =	vst v24  }
0x4c: {  	v13 =	vmul.f32 v13, v24;
	v19 =	vmul.f32 v19, v19;
	v10 =	vld [tilespmem:s20+$0x12210]  }
0x4d: {  	v15 =	vld [tilespmem:s20+$0x12220];
	v5 =	vadd.f32 v5, v6;
	v6 =	vmul.f32 v8, v14;
	v8 =	vadd.f32 $9.999999740e-06, v11;
	v11 =	vpop (erf)  }
0x4e: {  	v16 =	vadd.f32 v19, v16;
	v14 =	vmul.f32 v14, v14;
	v11 =	vmul.f32 $9.999999770e-03, v11  }
0x4f: {  	v60 =	vld [tilespmem:s20+$0x10230];
	v5 =	vadd.f32 v6, v5;
	v19 =	vmul.f32 $9.900000000e+01, v21;
	v9 =	vadd.f32 v9, v18  }
0x50: {  	s18 =	simm.s32 $0x180;
	v27 =	vld [tilespmem:s20+$0x12230];
	v23 =	vmul.f32 v8, v2;
	v20 =	vmul.f32 $9.900000000e+01, v20;
	v14 =	vadd.f32 v14, v16  }
0x51: {  	v28 =	vld [tilespmem:s18+$0x12240];
	v10 =	vadd.f32 v10, v26;
	v21 =	vmul.f32 v11, v9;
	v19 =	vsub.f32 v9, v19  }
0x52: {  	v18 =	vld [tilespmem:s18+$0x10240];
	v23 =	vmul.f32 v23, v0;
	v5 =	vadd.f32 v13, v5;
	v15 =	vadd.f32 v15, v22  }
0x53: {  	v8 =	vld [tilespmem:s19+$0x14230];
	v22 =	vmul.f32 v11, v10;
	v13 =	vsub.f32 v10, v20;
	v16 =	vmul.f32 v21, v19  }
0x54: {  	v6 =	vld [tilespmem:s19+$0x14220];
	(erf) = vrcp.f32 v23;
	v12 =	vsub.f32 v15, v12;
	v15 =	vmul.f32 v15, v11;
	[tilespmem:s20+$0x16280] =	vst v21  }
0x55: {  	v17 =	vmul.f32 $9.900000000e+01, v17;
	v9 =	vld [tilespmem:s19+$0x14210];
	v13 =	vmul.f32 v13, v22;
	v16 =	vadd.f32 v16, v5  }
0x56: {  	v20 =	vmul.f32 v24, v24;
	v19 =	vadd.f32 v27, v60;
	v23 =	vld [tilespmem:s19+$0x14200];
	[tilespmem:s20+$0x16290] =	vst v22;
	v12 =	vmul.f32 v12, v15  }
0x57: {  	v22 =	vmul.f32 v22, v22;
	v10 =	vld [tilespmem:s19+$0x10220];
	v5 =	vadd.f32 v28, v18;
	v16 =	vadd.f32 v13, v16  }
0x58: {  	v61 =	vld [tilespmem:s19+$0x10200];
	v18 =	vmul.f32 v21, v21;
	[tilespmem:s20+$0x162A0] =	vst v15;
	v11 =	vmul.f32 v19, v11  }
0x59: {  	v17 =	vsub.f32 v19, v17;
	v19 =	vld [tilespmem:s19+$0x12200];
	v21 =	vmul.f32 $9.999999770e-03, v5;
	v12 =	vadd.f32 v12, v16  }
0x5a: {  	v20 =	vadd.f32 v20, v14;
	v63 =	vmul.f32 v15, v15;
	v13 =	vld [tilespmem:s19+$0x10210];
	[tilespmem:s20+$0x162B0] =	vst v11  }
0x5b: {  	v62 =	vmul.f32 v17, v11;
	v18 =	vadd.f32 v22, v18;
	v17 =	vld [tilespmem:s19+$0x12210];
	v15 =	vadd.f32 $9.999999740e-06, v21  }
0x5c: {  	v7 =	vmul.f32 v20, v7;
	v14 =	vmul.f32 v11, v11;
	v16 =	vld [tilespmem:s19+$0x12220]  }
0x5d: {  	v18 =	vadd.f32 v63, v18;
	v11 =	vadd.f32 v62, v12;
	v22 =	vmul.f32 v15, v2;
	v15 =	vld [tilespmem:s19+$0x10230];
	v12 =	vpop (erf)  }
0x5e: {  	s21 =	simm.s32 $0xA00;
	s20 =	simm.s32 $0x200;
	v21 =	vmul.f32 $9.900000000e+01, v23;
	v20 =	vadd.f32 v19, v61;
	v19 =	vld [tilespmem:s19+$0x12230];
	v12 =	vmul.f32 $9.999999770e-03, v12  }
.LBB2_2:
0x5f: {  	p0 =	sne.s32 s21, $0x7E00;
	v23 =	vld [tilespmem:s20+$0x10240];
	v22 =	vmul.f32 v22, v0;
	v9 =	vmul.f32 $9.900000000e+01, v9;
	v18 =	vadd.f32 v14, v18  }
0x60: {  	v14 =	vld [tilespmem:s20+$0x12240];
	v24 =	vmul.f32 v12, v20;
	v20 =	vsub.f32 v20, v21;
	v13 =	vadd.f32 v17, v13  }
0x61: {  	v17 =	vld [tilespmem:s18+$0x14230];
	(erf) = vrcp.f32 v22;
	v10 =	vadd.f32 v16, v10;
	v16 =	vmul.f32 $9.900000000e+01, v6  }
0x62: {  	v6 =	vld [tilespmem:s18+$0x14220];
	[tilespmem:s19+$0x16280] =	vst v24;
	v20 =	vmul.f32 v24, v20;
	v21 =	vmul.f32 v12, v13;
	v13 =	vsub.f32 v13, v9  }
0x63: {  	v8 =	vmul.f32 $9.900000000e+01, v8;
	v9 =	vld [tilespmem:s18+$0x14210];
	v16 =	vsub.f32 v10, v16;
	v15 =	vadd.f32 v19, v15  }
0x64: {  	v19 =	vld [tilespmem:s18+$0x14200];
	v11 =	vadd.f32 v20, v11;
	[tilespmem:s19+$0x16290] =	vst v21;
	v13 =	vmul.f32 v13, v21;
	v20 =	vmul.f32 v10, v12  }
0x65: {  	v23 =	vadd.f32 v14, v23;
	v10 =	vld [tilespmem:s18+$0x10220];
	v14 =	vmul.f32 v24, v24;
	v22 =	vsub.f32 v15, v8  }
0x66: {  	v12 =	vmul.f32 v15, v12;
	v24 =	vld [tilespmem:s18+$0x10200];
	v11 =	vadd.f32 v13, v11;
	[tilespmem:s19+$0x162A0] =	vst v20;
	v16 =	vmul.f32 v16, v20  }
0x67: {  	v4 =	vadd.f32 v7, v4;
	v21 =	vmul.f32 v21, v21;
	v8 =	vmovc v17;
	v15 =	vmul.f32 $9.999999770e-03, v23;
	v25 =	vld [tilespmem:s18+$0x12200]  }
.Ltmp0:
0x68: {  	v20 =	vmul.f32 v20, v20;
	v13 =	vld [tilespmem:s18+$0x10210];
	v7 =	vadd.f32 v16, v11;
	[tilespmem:s19+$0x162B0] =	vst v12;
	v11 =	vmul.f32 v22, v12;
	s19 =	smov.u32 s18;
	s18 =	smov.u32 s20;
	(pc) =	sbr.rel @p0 .LBB2_2-.Ltmp0, $4  }
0x69: {  	v21 =	vadd.f32 v21, v14;
	v14 =	vmul.f32 v12, v12;
	v15 =	vadd.f32 $9.999999740e-06, v15;
	v17 =	vld [tilespmem:s19+$0x12210]  }
0x6a: {  	v16 =	vld [tilespmem:s19+$0x12220];
	v12 =	vpop (erf);
	v11 =	vadd.f32 v11, v7;
	v7 =	vmul.f32 v18, v1;
	v1 =	vmov v3  }
0x6b: {  	v18 =	vadd.f32 v20, v21;
	v3 =	vmovc v5;
	v5 =	vmov v23;
	v22 =	vmul.f32 v15, v2;
	v15 =	vld [tilespmem:s19+$0x10230]  }
0x6c: {  	s20 =	sshra.s32 s21, $0x2;
	s21 =	sadd.s32 $0x200, s21;
	v21 =	vmul.f32 $9.900000000e+01, v19;
	v12 =	vmul.f32 $9.999999770e-03, v12;
	v20 =	vadd.f32 v25, v24;
	v19 =	vld [tilespmem:s19+$0x12230]  }
0x6d: {  	v23 =	vld [tilespmem:s20+$0x10240]  }
0x6e: {  	v24 =	vld [tilespmem:s20+$0x12240];
	v22 =	vmul.f32 v22, v0;
	v25 =	vmul.f32 v12, v20;
	v13 =	vadd.f32 v17, v13  }
0x6f: {  	v26 =	vld [tilespmem:s18+$0x14230]  }
0x70: {  	v39 =	vld [tilespmem:s18+$0x14220];
	(erf) = vrcp.f32 v22;
	v10 =	vadd.f32 v16, v10;
	[tilespmem:s19+$0x16280] =	vst v25;
	v27 =	vmul.f32 v12, v13  }
0x71: {  	v28 =	vld [tilespmem:s18+$0x14210]  }
0x72: {  	v40 =	vld [tilespmem:s18+$0x14200];
	v41 =	vmul.f32 v10, v12;
	v15 =	vadd.f32 v19, v15;
	[tilespmem:s19+$0x16290] =	vst v27  }
0x73: {  	v29 =	vld [tilespmem:s18+$0x10220]  }
0x74: {  	v42 =	vld [tilespmem:s18+$0x10200];
	[tilespmem:s19+$0x162A0] =	vst v41;
	v43 =	vmul.f32 v15, v12  }
0x75: {  	v9 =	vmul.f32 $9.900000000e+01, v9;
	v14 =	vadd.f32 v14, v18;
	v44 =	vsub.f32 v20, v21;
	v30 =	vld [tilespmem:s18+$0x12200]  }
0x76: {  	v6 =	vmul.f32 $9.900000000e+01, v6;
	v8 =	vmul.f32 $9.900000000e+01, v8;
	v21 =	vadd.f32 v24, v23;
	v31 =	vld [tilespmem:s18+$0x10210];
	[tilespmem:s19+$0x162B0] =	vst v43  }
0x77: {  	v1 =	vmul.f32 v14, v1;
	v20 =	vmul.f32 v25, v44;
	v9 =	vsub.f32 v13, v9;
	v45 =	vld [tilespmem:s18+$0x12210]  }
0x78: {  	v4 =	vadd.f32 v7, v4;
	v25 =	vmul.f32 v25, v25;
	v49 =	vmul.f32 $9.999999770e-03, v21  }
0x79: {  	v6 =	vsub.f32 v10, v6;
	v9 =	vmul.f32 v9, v27;
	v52 =	vmul.f32 v27, v27;
	v46 =	vld [tilespmem:s18+$0x12220];
	v47 =	vpop (erf)  }
0x7a: {  	v48 =	vld [tilespmem:s18+$0x10230];
	v10 =	vadd.f32 $9.999999740e-06, v49;
	v24 =	vmul.f32 $9.999999770e-03, v47;
	v19 =	vadd.f32 v30, v42  }
0x7b: {  	v11 =	vadd.f32 v20, v11;
	v62 =	vmul.f32 $9.900000000e+01, v39;
	v33 =	vmul.f32 $9.900000000e+01, v26;
	v50 =	vld [tilespmem:s18+$0x12230]  }
0x7c: {  	v2 =	vmul.f32 v10, v2;
	v51 =	vmul.f32 v24, v19;
	v18 =	vadd.f32 v45, v31  }
0x7d: {  	v6 =	vmul.f32 v6, v41;
	v8 =	vsub.f32 v15, v8;
	v9 =	vadd.f32 v9, v11;
	v32 =	vld [tilespmem:s20+$0x14230]  }
0x7e: {  	v58 =	vmul.f32 v2, v0;
	v31 =	vld [tilespmem:s20+$0x14220];
	v56 =	vadd.f32 v46, v29;
	[tilespmem:s18+$0x16280] =	vst v51;
	v53 =	vmul.f32 v24, v18  }
0x7f: {  	v11 =	vadd.f32 v52, v25;
	v8 =	vmul.f32 v8, v43;
	v55 =	vmul.f32 $9.900000000e+01, v40;
	v54 =	vld [tilespmem:s20+$0x14210]  }
0x80: {  	v13 =	vadd.f32 v50, v48;
	(erf) = vrcp.f32 v58;
	v60 =	vmul.f32 v56, v24;
	v57 =	vld [tilespmem:s20+$0x14200];
	[tilespmem:s18+$0x16290] =	vst v53  }
0x81: {  	v35 =	vmul.f32 v43, v43;
	v6 =	vadd.f32 v6, v9;
	v59 =	vmul.f32 $9.900000000e+01, v28;
	v61 =	vld [tilespmem:s20+$0x10220]  }
0x82: {  	v28 =	vmul.f32 v41, v41;
	v9 =	vsub.f32 v19, v55;
	v29 =	vmul.f32 v13, v24;
	v63 =	vld [tilespmem:s20+$0x10200];
	[tilespmem:s18+$0x162A0] =	vst v60  }
0x83: {  	v6 =	vadd.f32 v8, v6;
	v58 =	vmul.f32 $9.900000000e+01, v32;
	v2 =	vsub.f32 v18, v59;
	v30 =	vld [tilespmem:s20+$0x12200]  }
0x84: {  	v27 =	vmul.f32 v51, v9;
	v0 =	vsub.f32 v56, v62;
	v9 =	vadd.f32 v28, v11;
	v34 =	vld [tilespmem:s20+$0x10210];
	[tilespmem:s18+$0x162B0] =	vst v29  }
0x85: {  	v36 =	vsub.f32 v13, v33;
	v38 =	vmul.f32 v51, v51;
	v2 =	vmul.f32 v2, v53;
	v37 =	vld [tilespmem:s20+$0x12210]  }
0x86: {  	v6 =	vadd.f32 v27, v6;
	v0 =	vmul.f32 v0, v60;
	v10 =	vmul.f32 v53, v53;
	v39 =	vld [tilespmem:s20+$0x12220]  }
0x87: {  	v9 =	vadd.f32 v35, v9;
	v40 =	vmul.f32 v36, v29;
	v41 =	vmul.f32 v60, v60  }
0x88: {  	v1 =	vadd.f32 v1, v4;
	v43 =	vmul.f32 v29, v29;
	v53 =	vmul.f32 $9.900000000e+01, v31;
	v42 =	vld [tilespmem:s20+$0x10230]  }
0x89: {  	v2 =	vadd.f32 v2, v6;
	v7 =	vadd.f32 v10, v38;
	v45 =	vmul.f32 v9, v3;
	v46 =	vld [tilespmem:s20+$0x12230];
	v44 =	vpop (erf)  }
0x8a: {  	v47 =	vmul.f32 $9.999999770e-03, v44;
	v48 =	vadd.f32 v30, v63;
	v6 =	vadd.f32 v37, v34  }
0x8b: {  	v49 =	vmul.f32 $9.900000000e+01, v57;
	v50 =	vmul.f32 $9.900000000e+01, v54;
	v13 =	vadd.f32 v39, v61  }
0x8c: {  	v0 =	vadd.f32 v0, v2;
	v51 =	vmul.f32 v47, v48;
	v52 =	vmul.f32 v47, v6  }
0x8d: {  	v4 =	vadd.f32 v41, v7;
	v8 =	vsub.f32 v48, v49;
	v54 =	vmul.f32 v13, v47  }
0x8e: {  	v3 =	vadd.f32 v46, v42;
	v55 =	vmul.f32 v51, v51;
	v56 =	vmul.f32 v52, v52  }
0x8f: {  	v0 =	vadd.f32 v40, v0;
	v6 =	vsub.f32 v6, v50;
	v8 =	vmul.f32 v51, v8  }
0x90: {  	v9 =	vmul.f32 v3, v47;
	v57 =	vmul.f32 v54, v54;
	v10 =	vadd.f32 v56, v55  }
0x91: {  	v12 =	vsub.f32 v13, v53;
	v6 =	vmul.f32 v6, v52;
	v0 =	vadd.f32 v8, v0  }
0x92: {  	v4 =	vadd.f32 v43, v4;
	v59 =	vmul.f32 v9, v9;
	v10 =	vadd.f32 v57, v10  }
0x93: {  	v3 =	vsub.f32 v3, v58;
	v60 =	vmul.f32 v12, v54;
	v0 =	vadd.f32 v6, v0  }
0x94: {  	v1 =	vadd.f32 v45, v1;
	v61 =	vmul.f32 v4, v5;
	v62 =	vadd.f32 v59, v10  }
0x95: {  	[tilespmem:s20+$0x16280] =	vst v51;
	v3 =	vmul.f32 v3, v9;
	v0 =	vadd.f32 v60, v0  }
0x96: {  	v1 =	vadd.f32 v61, v1;
	[tilespmem:s20+$0x16290] =	vst v52;
	v63 =	vmul.f32 v62, v21  }
0x97: {  	[tilespmem:s20+$0x162A0] =	vst v54;
	v0 =	vadd.f32 v3, v0  }
0x98: {  	[tilespmem:s20+$0x162B0] =	vst v9;
	v1 =	vadd.f32 v63, v1  }
0x99: {  	[tilespmem:$0x18280] =	vst v0  }
0x9a: {  	[tilespmem:$0x18300] =	vst v1  }
0x9b: {  	[hbm4b:s9+s3] =	stream.linear.scatter [tilespmem:s22], [sflag:$0x3], $0x100, $0x38;
	[tilespmem:$0x1A380] =	vst v63  }
0x9c: {  	_ =	swait.ge [sflag:s17], $0x100  }
0x9d: {  	[sflag:s17] =	ssyncset.done $0x0  }
0x9e: {  	[sflag:s17] =	ssyncadd.s32 $0xFFFFFF00  }
0x9f: {  	[spmem:s10] =	stream.linear.scatter [tilespmem:s23], [sflag:$0x3], $0x2000, $0x38;
	[tilespmem:$0x1A380] =	vst v63  }
0xa0: {  	_ =	swait.ge [sflag:s17], $0x2000  }
0xa1: {  	[sflag:s17] =	ssyncset.done $0x0  }
0xa2: {  	[sflag:s17] =	ssyncadd.s32 $0xFFFFE000  }
0xa3: {  	[bflag:$0x0] =	sbarrier.arrive $0xFFFF  }
0xa4: {  	[tilespmem:s25], [sflag:$0x1] =	stream.indirect.gather [spmem:s2], $0x80, s3, s24, $0xb8;
	[tilespmem:$0x1A380] =	vst v63  }
0xa5: {  	_ = 	snop  }
0xa6: {  	[tilespmem:s26], [sflag:$0x1] =	stream.indirect.gather [spmem:s2], $0x80, s24, s24, $0xb8;
	[tilespmem:$0x1A380] =	vst v63  }
0xa7: {  	_ = 	snop  }
0xa8: {  	[tilespmem:s29], [sflag:$0x1] =	stream.indirect.gather [spmem:s2], $0x80, s28, s24, $0xb8;
	[tilespmem:$0x1A380] =	vst v63  }
0xa9: {  	_ = 	snop  }
0xaa: {  	[tilespmem:s31], [sflag:$0x1] =	stream.indirect.gather [spmem:s2], $0x80, s30, s24, $0xb8;
	[tilespmem:$0x1A380] =	vst v63  }
0xab: {  	_ =	swait.ge [sflag:s12], $0x4000  }
0xac: {  	[sflag:s12] =	ssyncset.done $0x0  }
0xad: {  	[sflag:s12] =	ssyncadd.s32 $0xFFFFC000  }
0xae: {  	[hbm4b:s11+s3] =	stream.linear.scatter [tilespmem:s25], [sflag:$0x2], $0x4000, $0x38;
	[tilespmem:$0x1A380] =	vst v63  }
0xaf: {  	_ =	swait.ge [sflag:s12], $0x4000  }
0xb0: {  	[sflag:s12] =	ssyncset.done $0x0  }
0xb1: {  	[sflag:s12] =	ssyncadd.s32 $0xFFFFC000  }
0xb2: {  	[hbm4b:s13+s3] =	stream.linear.scatter [tilespmem:s26], [sflag:$0x2], $0x4000, $0x38;
	[tilespmem:$0x1A380] =	vst v63  }
0xb3: {  	_ =	swait.ge [sflag:s12], $0x4000  }
0xb4: {  	[sflag:s12] =	ssyncset.done $0x0  }
0xb5: {  	[sflag:s12] =	ssyncadd.s32 $0xFFFFC000  }
0xb6: {  	[hbm4b:s14+s3] =	stream.linear.scatter [tilespmem:s29], [sflag:$0x2], $0x4000, $0x38;
	[tilespmem:$0x1A380] =	vst v63  }
0xb7: {  	_ =	swait.ge [sflag:s12], $0x4000  }
0xb8: {  	[sflag:s12] =	ssyncset.done $0x0  }
0xb9: {  	[sflag:s12] =	ssyncadd.s32 $0xFFFFC000  }
0xba: {  	[hbm4b:s15+s3] =	stream.linear.scatter [tilespmem:s31], [sflag:$0x2], $0x4000, $0x38;
	[tilespmem:$0x1A380] =	vst v63  }
0xbb: {  	_ =	swait.ge [sflag:s0], $0x4000  }
0xbc: {  	[sflag:s0] =	ssyncset.done $0x0  }
0xbd: {  	[sflag:s0] =	ssyncadd.s32 $0xFFFFC000  }
0xbe: {  	_ =	swait.ge [sflag:s0], $0x4000  }
0xbf: {  	[sflag:s0] =	ssyncset.done $0x0  }
0xc0: {  	s1 =	sadd.s32 $0x1, s1;
	[sflag:s0] =	ssyncadd.s32 $0xFFFFC000  }
0xc1: {  	p0 =	sne.s32 s1, s16;
	_ =	swait.ge [sflag:s0], $0x4000  }
.Ltmp1:
0xc2: {  	[sflag:s0] =	ssyncset.done $0x0;
	(pc) =	sbr.rel @p0 .LBB2_1-.Ltmp1, $4  }
0xc3: {  	[sflag:s0] =	ssyncadd.s32 $0xFFFFC000  }
0xc4: {  	_ =	swait.ge [sflag:s0], $0x4000  }
0xc5: {  	[sflag:s0] =	ssyncset.done $0x0  }
0xc6: {  	[sflag:s0] =	ssyncadd.s32 $0xFFFFC000  }
0xc7: {  	_ =	sfence.sel $0x180000  }
0xc8: {  	[bflag:$0x0] =	sbarrier.arrive $0xFFFF  }
0xc9: {  	_ =	strace $0x9000004A  }
0xca: {  	s0 =	stileid.u32;
	[bflag:$0x2] =	sbarrier.arrive $0xFFFF  }
0xcb: {  	p0 =	sne.s32 s0, $0x0;
	s0 =	rddreg [dreg:$0x3]  }
0xcc: {  	s0 =	sadd.s32 @!p0 $0x100000, s0  }
0xcd: {  	[sflag:s0] =	ssyncadd.tile.s32 @!p0 $0x1;
	_ =	shalt  }
.Lfunc_end2:
_tile_overlayer_lowered:
.L_overlay_start_2:
0xce: {  	(tag) =	ssettag $0x2  }
0xcf: {  	s0 =	rddreg [dreg:$0x0];
	s2 =	stileid.u32  }
0xd0: {  	s1 =	rddreg [dreg:$0x1];
	p0 =	sne.s32 s2, $0x0  }
0xd1: {  	s3 =	rddreg [dreg:$0x2];
	[bflag:$0x3] =	sbarrier.arrive $0xFFFF;
	s2 =	simm.s32 @!p0 $0x1C03  }
0xd2: {  	[timem:s3], [sflag:s2] =	dma.local @!p0 [hbm:s0], s1  }
0xd3: {  	s0 =	simm.s32 @!p0 $0x3  }
0xd4: {  	_ =	swait.ge @!p0 [sflag:s0], s1  }
0xd5: {  	s1 =	ssub.s32 @!p0 $0x0, s1;
	[sflag:s0] =	ssyncset.done @!p0 $0x0  }
0xd6: {  	[sflag:s0] =	ssyncadd.s32 @!p0 s1  }
0xd7: {  	[bflag:$0x3] =	sbarrier.arrive $0xFFFF  }
0xd8: {  	_ =	shalt  }

</sc_bundles>
